<compile_context>
chip_gen: v7x
topology: tpu7x:2x2x1
jax: 0.10.2.dev20260603
libtpu: 0.0.44.dev20260713+nightly
codegen_flags: <defaults>
</compile_context>

<pallas_src>
import functools

import jax
import jax.numpy as jnp
from jax import lax
from jax.experimental import pallas as pl
from jax.experimental.pallas import tpu as pltpu
from jax.experimental.pallas import tpu_sc as plsc

H = 1024
FF = 4096
E = 8
K = 2
BT = 256
FT = 512



def _router_body(x_ref, rw_ref, i1_ref, i2_ref, w1_ref, w2_ref):
    x = x_ref[...]
    rw = rw_ref[...]
    logits = lax.dot_general(x, rw, (((1,), (1,)), ((), ())),
                             preferred_element_type=jnp.float32)
    m = jnp.max(logits, axis=1, keepdims=True)
    p = jnp.exp(logits - m)
    probs = p / jnp.sum(p, axis=1, keepdims=True)
    iota = lax.broadcasted_iota(jnp.int32, probs.shape, 1)
    v1 = jnp.max(probs, axis=1, keepdims=True)
    i1 = jnp.min(jnp.where(probs == v1, iota, E), axis=1, keepdims=True)
    masked = jnp.where(iota == i1, -1.0, probs)
    v2 = jnp.max(masked, axis=1, keepdims=True)
    i2 = jnp.min(jnp.where(masked == v2, iota, E), axis=1, keepdims=True)
    denom = jnp.clip(v1 + v2, 1e-9, None)
    i1_ref[...] = i1
    i2_ref[...] = i2
    w1_ref[...] = v1 / denom
    w2_ref[...] = v2 / denom


def _router(x, router_W, interpret=False):
    s = x.shape[0]
    return pl.pallas_call(
        _router_body,
        out_shape=(
            jax.ShapeDtypeStruct((s, 1), jnp.int32),
            jax.ShapeDtypeStruct((s, 1), jnp.int32),
            jax.ShapeDtypeStruct((s, 1), jnp.float32),
            jax.ShapeDtypeStruct((s, 1), jnp.float32),
        ),
        interpret=interpret,
    )(x, router_W)



def _dispatch_meta(i1, i2, w1, w2, num_blocks, p_total):
    s = i1.shape[0]
    a = s * K
    e_flat = jnp.stack([i1[:, 0], i2[:, 0]], axis=1).reshape(-1)
    w_flat = jnp.stack([w1[:, 0], w2[:, 0]], axis=1).reshape(-1)
    tok_of_a = (jnp.arange(a, dtype=jnp.int32) // K).astype(jnp.int32)
    onehot = (e_flat[:, None] == jnp.arange(E, dtype=jnp.int32)[None, :])
    counts = jnp.sum(onehot, axis=0).astype(jnp.int32)
    g_start = jnp.concatenate(
        [jnp.zeros((1,), jnp.int32), jnp.cumsum(counts)[:-1].astype(jnp.int32)])
    padded = ((counts + BT - 1) // BT) * BT
    p_start = jnp.concatenate(
        [jnp.zeros((1,), jnp.int32), jnp.cumsum(padded)[:-1].astype(jnp.int32)])
    order = jnp.argsort(e_flat)
    e_sorted = e_flat[order]
    r = jnp.arange(a, dtype=jnp.int32)
    dst = p_start[e_sorted] + (r - g_start[e_sorted])
    tok_padded = jnp.zeros((p_total,), jnp.int32).at[dst].set(tok_of_a[order])
    w_padded = jnp.zeros((p_total,), jnp.float32).at[dst].set(w_flat[order])
    pos_of_a = jnp.zeros((a,), jnp.int32).at[order].set(dst)
    pos_a = pos_of_a[0::K]
    pos_b = pos_of_a[1::K]
    bb = jnp.arange(num_blocks, dtype=jnp.int32)[:, None]
    sb = (p_start // BT)[None, :]
    eb = ((p_start + padded) // BT)[None, :]
    in_grp = (bb >= sb) & (bb < eb)
    block_expert = jnp.sum(
        jnp.where(in_grp, jnp.arange(E, dtype=jnp.int32)[None, :], 0), axis=1)
    return tok_padded, w_padded, pos_a, pos_b, block_expert.astype(jnp.int32)



def _ffn_body(be_ref, x_ref, w_ref, fc1_ref, fc2_ref, o_ref, acc_ref):
    j = pl.program_id(1)
    nj = pl.num_programs(1)

    @pl.when(j == 0)
    def _():
        acc_ref[...] = jnp.zeros_like(acc_ref)

    x = x_ref[...]
    h = lax.dot_general(x, fc1_ref[0], (((1,), (1,)), ((), ())),
                        preferred_element_type=jnp.float32)
    g = 0.5 * h * (1.0 + lax.erf(h * 0.7071067811865476))
    acc_ref[...] += lax.dot_general(g, fc2_ref[0], (((1,), (1,)), ((), ())),
                                    preferred_element_type=jnp.float32)

    @pl.when(j == nj - 1)
    def _():
        o_ref[...] = acc_ref[...] * w_ref[...]


def _grouped_ffn(block_expert, x_sorted, w_padded, fc1_W, fc2_W,
                 interpret=False):
    p_total = x_sorted.shape[0]
    nb = p_total // BT
    nj = FF // FT
    grid_spec = pltpu.PrefetchScalarGridSpec(
        num_scalar_prefetch=1,
        grid=(nb, nj),
        in_specs=[
            pl.BlockSpec((BT, H), lambda b, j, be: (b, 0)),
            pl.BlockSpec((BT, 1), lambda b, j, be: (b, 0)),
            pl.BlockSpec((1, FT, H), lambda b, j, be: (be[b], j, 0)),
            pl.BlockSpec((1, H, FT), lambda b, j, be: (be[b], 0, j)),
        ],
        out_specs=pl.BlockSpec((BT, H), lambda b, j, be: (b, 0)),
        scratch_shapes=[pltpu.VMEM((BT, H), jnp.float32)],
    )
    return pl.pallas_call(
        _ffn_body,
        grid_spec=grid_spec,
        out_shape=jax.ShapeDtypeStruct((p_total, H), jnp.float32),
        compiler_params=pltpu.CompilerParams(
            dimension_semantics=("arbitrary", "arbitrary")),
        interpret=interpret,
    )(block_expert, x_sorted, w_padded, fc1_W, fc2_W)



def _sc_gather(x, tok_padded, p_total):
    info = plsc.get_sparse_core_info()
    nc, ns = info.num_cores, info.num_subcores
    nw = nc * ns
    per_w = p_total // nw
    ch = per_w
    while ch * H * 4 > 256 * 1024 or per_w % ch:
        ch -= 1
    mesh = plsc.VectorSubcoreMesh(core_axis_name="c", subcore_axis_name="s")

    @functools.partial(
        pl.kernel, mesh=mesh,
        out_type=jax.ShapeDtypeStruct((p_total, H), jnp.float32),
        scratch_types=[
            pltpu.VMEM((per_w,), jnp.int32),
            pltpu.VMEM((ch, H), jnp.float32),
            pltpu.SemaphoreType.DMA,
        ])
    def gk(tab_hbm, idx_hbm, out_hbm, idx_v, rows_v, sem):
        wid = lax.axis_index("s") * nc + lax.axis_index("c")
        base = wid * per_w
        pltpu.sync_copy(idx_hbm.at[pl.ds(base, per_w)], idx_v)
        for c in range(per_w // ch):
            pltpu.async_copy(
                tab_hbm.at[idx_v.at[pl.ds(c * ch, ch)]], rows_v, sem).wait()
            pltpu.sync_copy(rows_v, out_hbm.at[pl.ds(base + c * ch, ch)])

    return gk(x, tok_padded)



def _sc_combine(ys, pos_a, pos_b):
    s = pos_a.shape[0]
    info = plsc.get_sparse_core_info()
    nc, ns = info.num_cores, info.num_subcores
    nw = nc * ns
    per_w = s // nw
    ch = per_w
    while ch * H * 4 > 128 * 1024 or per_w % ch:
        ch -= 1
    mesh = plsc.VectorSubcoreMesh(core_axis_name="c", subcore_axis_name="s")

    @functools.partial(
        pl.kernel, mesh=mesh,
        out_type=jax.ShapeDtypeStruct((s, H), jnp.float32),
        scratch_types=[
            pltpu.VMEM((per_w,), jnp.int32),
            pltpu.VMEM((per_w,), jnp.int32),
            pltpu.VMEM((ch, H), jnp.float32),
            pltpu.VMEM((ch, H), jnp.float32),
            pltpu.SemaphoreType.DMA,
        ])
    def ck(ys_hbm, pa_hbm, pb_hbm, out_hbm, ia_v, ib_v, ra_v, rb_v, sem):
        wid = lax.axis_index("s") * nc + lax.axis_index("c")
        base = wid * per_w
        pltpu.sync_copy(pa_hbm.at[pl.ds(base, per_w)], ia_v)
        pltpu.sync_copy(pb_hbm.at[pl.ds(base, per_w)], ib_v)
        for c in range(per_w // ch):
            pltpu.async_copy(
                ys_hbm.at[ia_v.at[pl.ds(c * ch, ch)]], ra_v, sem).wait()
            pltpu.async_copy(
                ys_hbm.at[ib_v.at[pl.ds(c * ch, ch)]], rb_v, sem).wait()

            def row(rr, carry):
                def lane(kk, carry2):
                    sl = pl.ds(kk * 16, 16)
                    ra_v[rr, sl] = ra_v[rr, sl] + rb_v[rr, sl]
                    return carry2
                return lax.fori_loop(0, H // 16, lane, carry)

            lax.fori_loop(0, ch, row, 0)
            pltpu.sync_copy(ra_v, out_hbm.at[pl.ds(base + c * ch, ch)])

    return ck(ys, pos_a, pos_b)



def kernel(hidden_states, router_W, fc1_W, fc2_W):
    orig_shape = hidden_states.shape
    x = hidden_states.reshape(-1, H)
    s = x.shape[0]
    p_total = s * K + E * BT
    nb = p_total // BT
    i1, i2, w1, w2 = _router(x, router_W)
    tok_padded, w_padded, pos_a, pos_b, block_expert = _dispatch_meta(
        i1, i2, w1, w2, nb, p_total)
    x_sorted = _sc_gather(x, tok_padded, p_total)
    ys = _grouped_ffn(block_expert, x_sorted, w_padded.reshape(p_total, 1),
                      fc1_W, fc2_W)
    y = _sc_combine(ys, pos_a, pos_b)
    return y.reshape(orig_shape)

# --- scband reference (transcript-rebuilt; emitter-appended) ---
"""Pipeline reference for scband-sparse-mo-effn-26302379721061 (READ-ONLY COPY).

The authoritative reference and input builder live on the scoring server;
editing this copy changes nothing except your own understanding.
"""

import jax, jax.numpy as jnp
import numpy as np

H = 1024
FF = 4096
E = 8
K = 2
B = 1
S = 2048


def setup_inputs(seed: int = 0) -> dict:
    key = jax.random.key(seed)
    k1, k2, k3, k4 = jax.random.split(key, 4)
    hidden_states = jax.random.normal(k1, (B, S, H), dtype=jnp.float32)
    # torch.nn.Linear weights are (out_features, in_features)
    router_W = jax.random.normal(k2, (E, H), dtype=jnp.float32) * 0.02
    fc1_W = jax.random.normal(k3, (E, FF, H), dtype=jnp.float32) * 0.02
    fc2_W = jax.random.normal(k4, (E, H, FF), dtype=jnp.float32) * 0.02
    return {"hidden_states": hidden_states, "router_W": router_W, "fc1_W": fc1_W, "fc2_W": fc2_W}


def reference(hidden_states, router_W, fc1_W, fc2_W):
    original_shape = hidden_states.shape
    flat = hidden_states.reshape(-1, H)
    gate_logits = flat @ router_W.T
    gate_probs = jax.nn.softmax(gate_logits, axis=-1)
    topk_weight, topk_idx = jax.lax.top_k(gate_probs, K)
    topk_weight = topk_weight / jnp.clip(topk_weight.sum(axis=-1, keepdims=True), 1e-9, None)
    output = jnp.zeros_like(flat)
    for expert_id in range(E):
        matches = topk_idx == expert_id
        weights = jnp.sum(jnp.where(matches, topk_weight, 0.0), axis=-1, keepdims=True)
        h = jax.nn.gelu(flat @ fc1_W[expert_id].T, approximate=False)
        expert_output = h @ fc2_W[expert_id].T
        output = output + expert_output * weights
    return output.reshape(original_shape)

if __name__ == "__main__":
    import jax
    _d = setup_inputs()
    print(jax.jit(kernel)(*tuple(_d.values())))

</pallas_src>

<mosaic_0001>
#map = affine_map<(d0, d1) -> (0, 0)>
#map1 = affine_map<(d0, d1) -> (0)>
module attributes {stable_mosaic.version = 14 : i64} {
  func.func @ck(%arg0: i32, %arg1: i32, %arg2: memref<6144x1024xf32, #tpu.memory_space<hbm>>, %arg3: memref<2048xi32, #tpu.memory_space<hbm>>, %arg4: memref<2048xi32, #tpu.memory_space<hbm>>, %arg5: memref<2048x1024xf32, #tpu.memory_space<hbm>>, %arg6: memref<64xi32, #tpu.memory_space<vmem>>, %arg7: memref<64xi32, #tpu.memory_space<vmem>>, %arg8: memref<32x1024xf32, #tpu.memory_space<vmem>>, %arg9: memref<32x1024xf32, #tpu.memory_space<vmem>>, %arg10: memref<!tpu.dma_semaphore, #tpu.memory_space<semaphore_mem>>) attributes {dimension_semantics = [#tpu.dimension_semantics<core_parallel>, #tpu.dimension_semantics<subcore_parallel>], iteration_bounds = array<i64: 2, 16>, scalar_prefetch = 0 : i64, scratch_operands = 5 : i64, tpu.core_type = #tpu.core_type<sc_vector_subcore>, window_params = [{transform_indices = #map}, {transform_indices = #map1}, {transform_indices = #map1}, {transform_indices = #map}]} {
    %mul3A = arith.constant 2 : i32
    %mul3A_0 = arith.muli %arg1, %mul3A : i32
    %add3A = arith.addi %mul3A_0, %arg0 : i32
    %mul3A_1 = arith.constant 64 : i32
    %mul3A_2 = arith.muli %add3A, %mul3A_1 : i32
    "tpu.region"() ({
      %run_scoped3A = tpu.sem_alloc : memref<!tpu.dma_semaphore, #tpu.memory_space<semaphore_mem>>
      %dma_start3A_56 = tpu.memref_slice %arg3[%mul3A_2] : memref<2048xi32, #tpu.memory_space<hbm>> -> memref<64xi32, #tpu.memory_space<hbm>>
      %dma_start3A_57 = tpu.memref_slice %arg3[%mul3A_2] : memref<2048xi32, #tpu.memory_space<hbm>> -> memref<64xi32, #tpu.memory_space<hbm>>
      tpu.enqueue_dma source(%dma_start3A_57 : memref<64xi32, #tpu.memory_space<hbm>>) target(%arg6 : memref<64xi32, #tpu.memory_space<vmem>>) target_semaphore(%run_scoped3A : memref<!tpu.dma_semaphore, #tpu.memory_space<semaphore_mem>>)
      %dma_wait3A_58 = tpu.memref_slice %arg3[%mul3A_2] : memref<2048xi32, #tpu.memory_space<hbm>> -> memref<64xi32, #tpu.memory_space<hbm>>
      %dma_wait3A_59 = tpu.memref_slice %arg3[%mul3A_2] : memref<2048xi32, #tpu.memory_space<hbm>> -> memref<64xi32, #tpu.memory_space<hbm>>
      tpu.wait_dma2 semaphore(%run_scoped3A : memref<!tpu.dma_semaphore, #tpu.memory_space<semaphore_mem>>) src(%dma_wait3A_59 : memref<64xi32, #tpu.memory_space<hbm>>) dst(%arg6 : memref<64xi32, #tpu.memory_space<vmem>>)
      tpu.yield
    }) : () -> ()
    "tpu.region"() ({
      %run_scoped3A = tpu.sem_alloc : memref<!tpu.dma_semaphore, #tpu.memory_space<semaphore_mem>>
      %dma_start3A_56 = tpu.memref_slice %arg4[%mul3A_2] : memref<2048xi32, #tpu.memory_space<hbm>> -> memref<64xi32, #tpu.memory_space<hbm>>
      %dma_start3A_57 = tpu.memref_slice %arg4[%mul3A_2] : memref<2048xi32, #tpu.memory_space<hbm>> -> memref<64xi32, #tpu.memory_space<hbm>>
      tpu.enqueue_dma source(%dma_start3A_57 : memref<64xi32, #tpu.memory_space<hbm>>) target(%arg7 : memref<64xi32, #tpu.memory_space<vmem>>) target_semaphore(%run_scoped3A : memref<!tpu.dma_semaphore, #tpu.memory_space<semaphore_mem>>)
      %dma_wait3A_58 = tpu.memref_slice %arg4[%mul3A_2] : memref<2048xi32, #tpu.memory_space<hbm>> -> memref<64xi32, #tpu.memory_space<hbm>>
      %dma_wait3A_59 = tpu.memref_slice %arg4[%mul3A_2] : memref<2048xi32, #tpu.memory_space<hbm>> -> memref<64xi32, #tpu.memory_space<hbm>>
      tpu.wait_dma2 semaphore(%run_scoped3A : memref<!tpu.dma_semaphore, #tpu.memory_space<semaphore_mem>>) src(%dma_wait3A_59 : memref<64xi32, #tpu.memory_space<hbm>>) dst(%arg7 : memref<64xi32, #tpu.memory_space<vmem>>)
      tpu.yield
    }) : () -> ()
    %dma_start3A = arith.constant 0 : i32
    %dma_start3A_3 = tpu.memref_slice %arg6[%dma_start3A] : memref<64xi32, #tpu.memory_space<vmem>> -> memref<32xi32, #tpu.memory_space<vmem>>
    %dma_start3A_4 = arith.constant 0 : i32
    %dma_start3A_5 = arith.constant 0 : i32
    %dma_start3A_6 = tpu.memref_slice %arg2[%dma_start3A_4, %dma_start3A_5] : memref<6144x1024xf32, #tpu.memory_space<hbm>> -> memref<6144x1024xf32, #tpu.memory_space<hbm>>
    tpu.enqueue_indirect_dma source(%dma_start3A_6 : memref<6144x1024xf32, #tpu.memory_space<hbm>>) target(%arg8 : memref<32x1024xf32, #tpu.memory_space<vmem>>) offsets(%dma_start3A_3 : memref<32xi32, #tpu.memory_space<vmem>>) semaphore(%arg10 : memref<!tpu.dma_semaphore, #tpu.memory_space<semaphore_mem>>)
    %dma_wait3A = arith.constant 0 : i32
    %dma_wait3A_7 = tpu.memref_slice %arg6[%dma_wait3A] : memref<64xi32, #tpu.memory_space<vmem>> -> memref<32xi32, #tpu.memory_space<vmem>>
    %dma_wait3A_8 = arith.constant 0 : i32
    %dma_wait3A_9 = arith.constant 0 : i32
    %dma_wait3A_10 = tpu.memref_slice %arg2[%dma_wait3A_8, %dma_wait3A_9] : memref<6144x1024xf32, #tpu.memory_space<hbm>> -> memref<6144x1024xf32, #tpu.memory_space<hbm>>
    tpu.wait_indirect_dma semaphore(%arg10 : memref<!tpu.dma_semaphore, #tpu.memory_space<semaphore_mem>>) src(%dma_wait3A_10 : memref<6144x1024xf32, #tpu.memory_space<hbm>>) dst(%arg8 : memref<32x1024xf32, #tpu.memory_space<vmem>>)
    %dma_start3A_11 = arith.constant 0 : i32
    %dma_start3A_12 = tpu.memref_slice %arg7[%dma_start3A_11] : memref<64xi32, #tpu.memory_space<vmem>> -> memref<32xi32, #tpu.memory_space<vmem>>
    %dma_start3A_13 = arith.constant 0 : i32
    %dma_start3A_14 = arith.constant 0 : i32
    %dma_start3A_15 = tpu.memref_slice %arg2[%dma_start3A_13, %dma_start3A_14] : memref<6144x1024xf32, #tpu.memory_space<hbm>> -> memref<6144x1024xf32, #tpu.memory_space<hbm>>
    tpu.enqueue_indirect_dma source(%dma_start3A_15 : memref<6144x1024xf32, #tpu.memory_space<hbm>>) target(%arg9 : memref<32x1024xf32, #tpu.memory_space<vmem>>) offsets(%dma_start3A_12 : memref<32xi32, #tpu.memory_space<vmem>>) semaphore(%arg10 : memref<!tpu.dma_semaphore, #tpu.memory_space<semaphore_mem>>)
    %dma_wait3A_16 = arith.constant 0 : i32
    %dma_wait3A_17 = tpu.memref_slice %arg7[%dma_wait3A_16] : memref<64xi32, #tpu.memory_space<vmem>> -> memref<32xi32, #tpu.memory_space<vmem>>
    %dma_wait3A_18 = arith.constant 0 : i32
    %dma_wait3A_19 = arith.constant 0 : i32
    %dma_wait3A_20 = tpu.memref_slice %arg2[%dma_wait3A_18, %dma_wait3A_19] : memref<6144x1024xf32, #tpu.memory_space<hbm>> -> memref<6144x1024xf32, #tpu.memory_space<hbm>>
    tpu.wait_indirect_dma semaphore(%arg10 : memref<!tpu.dma_semaphore, #tpu.memory_space<semaphore_mem>>) src(%dma_wait3A_20 : memref<6144x1024xf32, #tpu.memory_space<hbm>>) dst(%arg9 : memref<32x1024xf32, #tpu.memory_space<vmem>>)
    %scan3A = arith.constant 0 : i32
    %scan3A_21 = arith.constant 0 : i32
    %scan3A_22 = arith.constant 32 : i32
    %scan3A_23 = arith.addi %scan3A_21, %scan3A_22 : i32
    %scan3A_24 = arith.constant 1 : i32
    scf.for %scan3A_56 = %scan3A_21 to %scan3A_23 step %scan3A_24  : i32 {
      %scan3A_57 = arith.constant 0 : i32
      %scan3A_58 = arith.constant 64 : i32
      %scan3A_59 = arith.addi %scan3A_57, %scan3A_58 : i32
      %scan3A_60 = arith.constant 1 : i32
      scf.for %scan3A_62 = %scan3A_57 to %scan3A_59 step %scan3A_60  : i32 {
        %mul3A_63 = arith.constant 16 : i32
        %mul3A_64 = arith.muli %scan3A_62, %mul3A_63 : i32
        %get3A = arith.index_cast %scan3A_56 : i32 to index
        %get3A_65 = arith.index_cast %mul3A_64 : i32 to index
        %get3A_66 = tpu.vector_load %arg8[%get3A, %get3A_65] {strides = array<i32>} : memref<32x1024xf32, #tpu.memory_space<vmem>>, vector<1x16xf32>,
        %get3A_67 = vector.shape_cast %get3A_66 : vector<1x16xf32> to vector<16xf32>
        %get3A_68 = arith.index_cast %scan3A_56 : i32 to index
        %get3A_69 = arith.index_cast %mul3A_64 : i32 to index
        %get3A_70 = tpu.vector_load %arg9[%get3A_68, %get3A_69] {strides = array<i32>} : memref<32x1024xf32, #tpu.memory_space<vmem>>, vector<1x16xf32>,
        %get3A_71 = vector.shape_cast %get3A_70 : vector<1x16xf32> to vector<16xf32>
        %add3A_72 = arith.addf %get3A_67, %get3A_71 : vector<16xf32>
        %swap3A = arith.index_cast %scan3A_56 : i32 to index
        %swap3A_73 = arith.index_cast %mul3A_64 : i32 to index
        %swap3A_74 = tpu.vector_load %arg8[%swap3A, %swap3A_73] {strides = array<i32>} : memref<32x1024xf32, #tpu.memory_space<vmem>>, vector<1x16xf32>,
        %swap3A_75 = vector.shape_cast %swap3A_74 : vector<1x16xf32> to vector<16xf32>
        %swap3A_76 = vector.shape_cast %add3A_72 : vector<16xf32> to vector<1x16xf32>
        tpu.vector_store %arg8[%swap3A, %swap3A_73], %swap3A_76 {strides = array<i32>} : memref<32x1024xf32, #tpu.memory_space<vmem>>, vector<1x16xf32>,
      }
      %scan3A_61 = arith.constant 64 : i32
    }
    %scan3A_25 = arith.constant 32 : i32
    %add3A_26 = arith.constant 0 : i32
    %add3A_27 = arith.addi %mul3A_2, %add3A_26 : i32
    "tpu.region"() ({
      %run_scoped3A = tpu.sem_alloc : memref<!tpu.dma_semaphore, #tpu.memory_space<semaphore_mem>>
      %dma_start3A_56 = arith.constant 0 : i32
      %dma_start3A_57 = tpu.memref_slice %arg5[%add3A_27, %dma_start3A_56] : memref<2048x1024xf32, #tpu.memory_space<hbm>> -> memref<32x1024xf32, #tpu.memory_space<hbm>>
      %dma_start3A_58 = arith.constant 0 : i32
      %dma_start3A_59 = tpu.memref_slice %arg5[%add3A_27, %dma_start3A_58] : memref<2048x1024xf32, #tpu.memory_space<hbm>> -> memref<32x1024xf32, #tpu.memory_space<hbm>>
      tpu.enqueue_dma source(%arg8 : memref<32x1024xf32, #tpu.memory_space<vmem>>) target(%dma_start3A_59 : memref<32x1024xf32, #tpu.memory_space<hbm>>) target_semaphore(%run_scoped3A : memref<!tpu.dma_semaphore, #tpu.memory_space<semaphore_mem>>)
      %dma_wait3A_60 = arith.constant 0 : i32
      %dma_wait3A_61 = tpu.memref_slice %arg5[%add3A_27, %dma_wait3A_60] : memref<2048x1024xf32, #tpu.memory_space<hbm>> -> memref<32x1024xf32, #tpu.memory_space<hbm>>
      %dma_wait3A_62 = arith.constant 0 : i32
      %dma_wait3A_63 = tpu.memref_slice %arg5[%add3A_27, %dma_wait3A_62] : memref<2048x1024xf32, #tpu.memory_space<hbm>> -> memref<32x1024xf32, #tpu.memory_space<hbm>>
      tpu.wait_dma2 semaphore(%run_scoped3A : memref<!tpu.dma_semaphore, #tpu.memory_space<semaphore_mem>>) src(%arg8 : memref<32x1024xf32, #tpu.memory_space<vmem>>) dst(%dma_wait3A_63 : memref<32x1024xf32, #tpu.memory_space<hbm>>)
      tpu.yield
    }) : () -> ()
    %dma_start3A_28 = arith.constant 32 : i32
    %dma_start3A_29 = tpu.memref_slice %arg6[%dma_start3A_28] : memref<64xi32, #tpu.memory_space<vmem>> -> memref<32xi32, #tpu.memory_space<vmem>>
    %dma_start3A_30 = arith.constant 0 : i32
    %dma_start3A_31 = arith.constant 0 : i32
    %dma_start3A_32 = tpu.memref_slice %arg2[%dma_start3A_30, %dma_start3A_31] : memref<6144x1024xf32, #tpu.memory_space<hbm>> -> memref<6144x1024xf32, #tpu.memory_space<hbm>>
    tpu.enqueue_indirect_dma source(%dma_start3A_32 : memref<6144x1024xf32, #tpu.memory_space<hbm>>) target(%arg8 : memref<32x1024xf32, #tpu.memory_space<vmem>>) offsets(%dma_start3A_29 : memref<32xi32, #tpu.memory_space<vmem>>) semaphore(%arg10 : memref<!tpu.dma_semaphore, #tpu.memory_space<semaphore_mem>>)
    %dma_wait3A_33 = arith.constant 32 : i32
    %dma_wait3A_34 = tpu.memref_slice %arg6[%dma_wait3A_33] : memref<64xi32, #tpu.memory_space<vmem>> -> memref<32xi32, #tpu.memory_space<vmem>>
    %dma_wait3A_35 = arith.constant 0 : i32
    %dma_wait3A_36 = arith.constant 0 : i32
    %dma_wait3A_37 = tpu.memref_slice %arg2[%dma_wait3A_35, %dma_wait3A_36] : memref<6144x1024xf32, #tpu.memory_space<hbm>> -> memref<6144x1024xf32, #tpu.memory_space<hbm>>
    tpu.wait_indirect_dma semaphore(%arg10 : memref<!tpu.dma_semaphore, #tpu.memory_space<semaphore_mem>>) src(%dma_wait3A_37 : memref<6144x1024xf32, #tpu.memory_space<hbm>>) dst(%arg8 : memref<32x1024xf32, #tpu.memory_space<vmem>>)
    %dma_start3A_38 = arith.constant 32 : i32
    %dma_start3A_39 = tpu.memref_slice %arg7[%dma_start3A_38] : memref<64xi32, #tpu.memory_space<vmem>> -> memref<32xi32, #tpu.memory_space<vmem>>
    %dma_start3A_40 = arith.constant 0 : i32
    %dma_start3A_41 = arith.constant 0 : i32
    %dma_start3A_42 = tpu.memref_slice %arg2[%dma_start3A_40, %dma_start3A_41] : memref<6144x1024xf32, #tpu.memory_space<hbm>> -> memref<6144x1024xf32, #tpu.memory_space<hbm>>
    tpu.enqueue_indirect_dma source(%dma_start3A_42 : memref<6144x1024xf32, #tpu.memory_space<hbm>>) target(%arg9 : memref<32x1024xf32, #tpu.memory_space<vmem>>) offsets(%dma_start3A_39 : memref<32xi32, #tpu.memory_space<vmem>>) semaphore(%arg10 : memref<!tpu.dma_semaphore, #tpu.memory_space<semaphore_mem>>)
    %dma_wait3A_43 = arith.constant 32 : i32
    %dma_wait3A_44 = tpu.memref_slice %arg7[%dma_wait3A_43] : memref<64xi32, #tpu.memory_space<vmem>> -> memref<32xi32, #tpu.memory_space<vmem>>
    %dma_wait3A_45 = arith.constant 0 : i32
    %dma_wait3A_46 = arith.constant 0 : i32
    %dma_wait3A_47 = tpu.memref_slice %arg2[%dma_wait3A_45, %dma_wait3A_46] : memref<6144x1024xf32, #tpu.memory_space<hbm>> -> memref<6144x1024xf32, #tpu.memory_space<hbm>>
    tpu.wait_indirect_dma semaphore(%arg10 : memref<!tpu.dma_semaphore, #tpu.memory_space<semaphore_mem>>) src(%dma_wait3A_47 : memref<6144x1024xf32, #tpu.memory_space<hbm>>) dst(%arg9 : memref<32x1024xf32, #tpu.memory_space<vmem>>)
    %scan3A_48 = arith.constant 0 : i32
    %scan3A_49 = arith.constant 0 : i32
    %scan3A_50 = arith.constant 32 : i32
    %scan3A_51 = arith.addi %scan3A_49, %scan3A_50 : i32
    %scan3A_52 = arith.constant 1 : i32
    scf.for %scan3A_56 = %scan3A_49 to %scan3A_51 step %scan3A_52  : i32 {
      %scan3A_57 = arith.constant 0 : i32
      %scan3A_58 = arith.constant 64 : i32
      %scan3A_59 = arith.addi %scan3A_57, %scan3A_58 : i32
      %scan3A_60 = arith.constant 1 : i32
      scf.for %scan3A_62 = %scan3A_57 to %scan3A_59 step %scan3A_60  : i32 {
        %mul3A_63 = arith.constant 16 : i32
        %mul3A_64 = arith.muli %scan3A_62, %mul3A_63 : i32
        %get3A = arith.index_cast %scan3A_56 : i32 to index
        %get3A_65 = arith.index_cast %mul3A_64 : i32 to index
        %get3A_66 = tpu.vector_load %arg8[%get3A, %get3A_65] {strides = array<i32>} : memref<32x1024xf32, #tpu.memory_space<vmem>>, vector<1x16xf32>,
        %get3A_67 = vector.shape_cast %get3A_66 : vector<1x16xf32> to vector<16xf32>
        %get3A_68 = arith.index_cast %scan3A_56 : i32 to index
        %get3A_69 = arith.index_cast %mul3A_64 : i32 to index
        %get3A_70 = tpu.vector_load %arg9[%get3A_68, %get3A_69] {strides = array<i32>} : memref<32x1024xf32, #tpu.memory_space<vmem>>, vector<1x16xf32>,
        %get3A_71 = vector.shape_cast %get3A_70 : vector<1x16xf32> to vector<16xf32>
        %add3A_72 = arith.addf %get3A_67, %get3A_71 : vector<16xf32>
        %swap3A = arith.index_cast %scan3A_56 : i32 to index
        %swap3A_73 = arith.index_cast %mul3A_64 : i32 to index
        %swap3A_74 = tpu.vector_load %arg8[%swap3A, %swap3A_73] {strides = array<i32>} : memref<32x1024xf32, #tpu.memory_space<vmem>>, vector<1x16xf32>,
        %swap3A_75 = vector.shape_cast %swap3A_74 : vector<1x16xf32> to vector<16xf32>
        %swap3A_76 = vector.shape_cast %add3A_72 : vector<16xf32> to vector<1x16xf32>
        tpu.vector_store %arg8[%swap3A, %swap3A_73], %swap3A_76 {strides = array<i32>} : memref<32x1024xf32, #tpu.memory_space<vmem>>, vector<1x16xf32>,
      }
      %scan3A_61 = arith.constant 64 : i32
    }
    %scan3A_53 = arith.constant 32 : i32
    %add3A_54 = arith.constant 32 : i32
    %add3A_55 = arith.addi %mul3A_2, %add3A_54 : i32
    "tpu.region"() ({
      %run_scoped3A = tpu.sem_alloc : memref<!tpu.dma_semaphore, #tpu.memory_space<semaphore_mem>>
      %dma_start3A_56 = arith.constant 0 : i32
      %dma_start3A_57 = tpu.memref_slice %arg5[%add3A_55, %dma_start3A_56] : memref<2048x1024xf32, #tpu.memory_space<hbm>> -> memref<32x1024xf32, #tpu.memory_space<hbm>>
      %dma_start3A_58 = arith.constant 0 : i32
      %dma_start3A_59 = tpu.memref_slice %arg5[%add3A_55, %dma_start3A_58] : memref<2048x1024xf32, #tpu.memory_space<hbm>> -> memref<32x1024xf32, #tpu.memory_space<hbm>>
      tpu.enqueue_dma source(%arg8 : memref<32x1024xf32, #tpu.memory_space<vmem>>) target(%dma_start3A_59 : memref<32x1024xf32, #tpu.memory_space<hbm>>) target_semaphore(%run_scoped3A : memref<!tpu.dma_semaphore, #tpu.memory_space<semaphore_mem>>)
      %dma_wait3A_60 = arith.constant 0 : i32
      %dma_wait3A_61 = tpu.memref_slice %arg5[%add3A_55, %dma_wait3A_60] : memref<2048x1024xf32, #tpu.memory_space<hbm>> -> memref<32x1024xf32, #tpu.memory_space<hbm>>
      %dma_wait3A_62 = arith.constant 0 : i32
      %dma_wait3A_63 = tpu.memref_slice %arg5[%add3A_55, %dma_wait3A_62] : memref<2048x1024xf32, #tpu.memory_space<hbm>> -> memref<32x1024xf32, #tpu.memory_space<hbm>>
      tpu.wait_dma2 semaphore(%run_scoped3A : memref<!tpu.dma_semaphore, #tpu.memory_space<semaphore_mem>>) src(%arg8 : memref<32x1024xf32, #tpu.memory_space<vmem>>) dst(%dma_wait3A_63 : memref<32x1024xf32, #tpu.memory_space<hbm>>)
      tpu.yield
    }) : () -> ()
    return
  }
}

#map = affine_map<(d0, d1) -> (0, 0)>
#map1 = affine_map<(d0, d1) -> (0)>
module attributes {stable_mosaic.version = 14 : i64} {
  func.func @gk(%arg0: i32, %arg1: i32, %arg2: memref<2048x1024xf32, #tpu.memory_space<hbm>>, %arg3: memref<6144xi32, #tpu.memory_space<hbm>>, %arg4: memref<6144x1024xf32, #tpu.memory_space<hbm>>, %arg5: memref<192xi32, #tpu.memory_space<vmem>>, %arg6: memref<64x1024xf32, #tpu.memory_space<vmem>>, %arg7: memref<!tpu.dma_semaphore, #tpu.memory_space<semaphore_mem>>) attributes {dimension_semantics = [#tpu.dimension_semantics<core_parallel>, #tpu.dimension_semantics<subcore_parallel>], iteration_bounds = array<i64: 2, 16>, scalar_prefetch = 0 : i64, scratch_operands = 3 : i64, tpu.core_type = #tpu.core_type<sc_vector_subcore>, window_params = [{transform_indices = #map}, {transform_indices = #map1}, {transform_indices = #map}]} {
    %mul3A = arith.constant 2 : i32
    %mul3A_0 = arith.muli %arg1, %mul3A : i32
    %add3A = arith.addi %mul3A_0, %arg0 : i32
    %mul3A_1 = arith.constant 192 : i32
    %mul3A_2 = arith.muli %add3A, %mul3A_1 : i32
    "tpu.region"() ({
      %run_scoped3A = tpu.sem_alloc : memref<!tpu.dma_semaphore, #tpu.memory_space<semaphore_mem>>
      %dma_start3A_37 = tpu.memref_slice %arg3[%mul3A_2] : memref<6144xi32, #tpu.memory_space<hbm>> -> memref<192xi32, #tpu.memory_space<hbm>>
      %dma_start3A_38 = tpu.memref_slice %arg3[%mul3A_2] : memref<6144xi32, #tpu.memory_space<hbm>> -> memref<192xi32, #tpu.memory_space<hbm>>
      tpu.enqueue_dma source(%dma_start3A_38 : memref<192xi32, #tpu.memory_space<hbm>>) target(%arg5 : memref<192xi32, #tpu.memory_space<vmem>>) target_semaphore(%run_scoped3A : memref<!tpu.dma_semaphore, #tpu.memory_space<semaphore_mem>>)
      %dma_wait3A_39 = tpu.memref_slice %arg3[%mul3A_2] : memref<6144xi32, #tpu.memory_space<hbm>> -> memref<192xi32, #tpu.memory_space<hbm>>
      %dma_wait3A_40 = tpu.memref_slice %arg3[%mul3A_2] : memref<6144xi32, #tpu.memory_space<hbm>> -> memref<192xi32, #tpu.memory_space<hbm>>
      tpu.wait_dma2 semaphore(%run_scoped3A : memref<!tpu.dma_semaphore, #tpu.memory_space<semaphore_mem>>) src(%dma_wait3A_40 : memref<192xi32, #tpu.memory_space<hbm>>) dst(%arg5 : memref<192xi32, #tpu.memory_space<vmem>>)
      tpu.yield
    }) : () -> ()
    %dma_start3A = arith.constant 0 : i32
    %dma_start3A_3 = tpu.memref_slice %arg5[%dma_start3A] : memref<192xi32, #tpu.memory_space<vmem>> -> memref<64xi32, #tpu.memory_space<vmem>>
    %dma_start3A_4 = arith.constant 0 : i32
    %dma_start3A_5 = arith.constant 0 : i32
    %dma_start3A_6 = tpu.memref_slice %arg2[%dma_start3A_4, %dma_start3A_5] : memref<2048x1024xf32, #tpu.memory_space<hbm>> -> memref<2048x1024xf32, #tpu.memory_space<hbm>>
    tpu.enqueue_indirect_dma source(%dma_start3A_6 : memref<2048x1024xf32, #tpu.memory_space<hbm>>) target(%arg6 : memref<64x1024xf32, #tpu.memory_space<vmem>>) offsets(%dma_start3A_3 : memref<64xi32, #tpu.memory_space<vmem>>) semaphore(%arg7 : memref<!tpu.dma_semaphore, #tpu.memory_space<semaphore_mem>>)
    %dma_wait3A = arith.constant 0 : i32
    %dma_wait3A_7 = tpu.memref_slice %arg5[%dma_wait3A] : memref<192xi32, #tpu.memory_space<vmem>> -> memref<64xi32, #tpu.memory_space<vmem>>
    %dma_wait3A_8 = arith.constant 0 : i32
    %dma_wait3A_9 = arith.constant 0 : i32
    %dma_wait3A_10 = tpu.memref_slice %arg2[%dma_wait3A_8, %dma_wait3A_9] : memref<2048x1024xf32, #tpu.memory_space<hbm>> -> memref<2048x1024xf32, #tpu.memory_space<hbm>>
    tpu.wait_indirect_dma semaphore(%arg7 : memref<!tpu.dma_semaphore, #tpu.memory_space<semaphore_mem>>) src(%dma_wait3A_10 : memref<2048x1024xf32, #tpu.memory_space<hbm>>) dst(%arg6 : memref<64x1024xf32, #tpu.memory_space<vmem>>)
    %add3A_11 = arith.constant 0 : i32
    %add3A_12 = arith.addi %mul3A_2, %add3A_11 : i32
    "tpu.region"() ({
      %run_scoped3A = tpu.sem_alloc : memref<!tpu.dma_semaphore, #tpu.memory_space<semaphore_mem>>
      %dma_start3A_37 = arith.constant 0 : i32
      %dma_start3A_38 = tpu.memref_slice %arg4[%add3A_12, %dma_start3A_37] : memref<6144x1024xf32, #tpu.memory_space<hbm>> -> memref<64x1024xf32, #tpu.memory_space<hbm>>
      %dma_start3A_39 = arith.constant 0 : i32
      %dma_start3A_40 = tpu.memref_slice %arg4[%add3A_12, %dma_start3A_39] : memref<6144x1024xf32, #tpu.memory_space<hbm>> -> memref<64x1024xf32, #tpu.memory_space<hbm>>
      tpu.enqueue_dma source(%arg6 : memref<64x1024xf32, #tpu.memory_space<vmem>>) target(%dma_start3A_40 : memref<64x1024xf32, #tpu.memory_space<hbm>>) target_semaphore(%run_scoped3A : memref<!tpu.dma_semaphore, #tpu.memory_space<semaphore_mem>>)
      %dma_wait3A_41 = arith.constant 0 : i32
      %dma_wait3A_42 = tpu.memref_slice %arg4[%add3A_12, %dma_wait3A_41] : memref<6144x1024xf32, #tpu.memory_space<hbm>> -> memref<64x1024xf32, #tpu.memory_space<hbm>>
      %dma_wait3A_43 = arith.constant 0 : i32
      %dma_wait3A_44 = tpu.memref_slice %arg4[%add3A_12, %dma_wait3A_43] : memref<6144x1024xf32, #tpu.memory_space<hbm>> -> memref<64x1024xf32, #tpu.memory_space<hbm>>
      tpu.wait_dma2 semaphore(%run_scoped3A : memref<!tpu.dma_semaphore, #tpu.memory_space<semaphore_mem>>) src(%arg6 : memref<64x1024xf32, #tpu.memory_space<vmem>>) dst(%dma_wait3A_44 : memref<64x1024xf32, #tpu.memory_space<hbm>>)
      tpu.yield
    }) : () -> ()
    %dma_start3A_13 = arith.constant 64 : i32
    %dma_start3A_14 = tpu.memref_slice %arg5[%dma_start3A_13] : memref<192xi32, #tpu.memory_space<vmem>> -> memref<64xi32, #tpu.memory_space<vmem>>
    %dma_start3A_15 = arith.constant 0 : i32
    %dma_start3A_16 = arith.constant 0 : i32
    %dma_start3A_17 = tpu.memref_slice %arg2[%dma_start3A_15, %dma_start3A_16] : memref<2048x1024xf32, #tpu.memory_space<hbm>> -> memref<2048x1024xf32, #tpu.memory_space<hbm>>
    tpu.enqueue_indirect_dma source(%dma_start3A_17 : memref<2048x1024xf32, #tpu.memory_space<hbm>>) target(%arg6 : memref<64x1024xf32, #tpu.memory_space<vmem>>) offsets(%dma_start3A_14 : memref<64xi32, #tpu.memory_space<vmem>>) semaphore(%arg7 : memref<!tpu.dma_semaphore, #tpu.memory_space<semaphore_mem>>)
    %dma_wait3A_18 = arith.constant 64 : i32
    %dma_wait3A_19 = tpu.memref_slice %arg5[%dma_wait3A_18] : memref<192xi32, #tpu.memory_space<vmem>> -> memref<64xi32, #tpu.memory_space<vmem>>
    %dma_wait3A_20 = arith.constant 0 : i32
    %dma_wait3A_21 = arith.constant 0 : i32
    %dma_wait3A_22 = tpu.memref_slice %arg2[%dma_wait3A_20, %dma_wait3A_21] : memref<2048x1024xf32, #tpu.memory_space<hbm>> -> memref<2048x1024xf32, #tpu.memory_space<hbm>>
    tpu.wait_indirect_dma semaphore(%arg7 : memref<!tpu.dma_semaphore, #tpu.memory_space<semaphore_mem>>) src(%dma_wait3A_22 : memref<2048x1024xf32, #tpu.memory_space<hbm>>) dst(%arg6 : memref<64x1024xf32, #tpu.memory_space<vmem>>)
    %add3A_23 = arith.constant 64 : i32
    %add3A_24 = arith.addi %mul3A_2, %add3A_23 : i32
    "tpu.region"() ({
      %run_scoped3A = tpu.sem_alloc : memref<!tpu.dma_semaphore, #tpu.memory_space<semaphore_mem>>
      %dma_start3A_37 = arith.constant 0 : i32
      %dma_start3A_38 = tpu.memref_slice %arg4[%add3A_24, %dma_start3A_37] : memref<6144x1024xf32, #tpu.memory_space<hbm>> -> memref<64x1024xf32, #tpu.memory_space<hbm>>
      %dma_start3A_39 = arith.constant 0 : i32
      %dma_start3A_40 = tpu.memref_slice %arg4[%add3A_24, %dma_start3A_39] : memref<6144x1024xf32, #tpu.memory_space<hbm>> -> memref<64x1024xf32, #tpu.memory_space<hbm>>
      tpu.enqueue_dma source(%arg6 : memref<64x1024xf32, #tpu.memory_space<vmem>>) target(%dma_start3A_40 : memref<64x1024xf32, #tpu.memory_space<hbm>>) target_semaphore(%run_scoped3A : memref<!tpu.dma_semaphore, #tpu.memory_space<semaphore_mem>>)
      %dma_wait3A_41 = arith.constant 0 : i32
      %dma_wait3A_42 = tpu.memref_slice %arg4[%add3A_24, %dma_wait3A_41] : memref<6144x1024xf32, #tpu.memory_space<hbm>> -> memref<64x1024xf32, #tpu.memory_space<hbm>>
      %dma_wait3A_43 = arith.constant 0 : i32
      %dma_wait3A_44 = tpu.memref_slice %arg4[%add3A_24, %dma_wait3A_43] : memref<6144x1024xf32, #tpu.memory_space<hbm>> -> memref<64x1024xf32, #tpu.memory_space<hbm>>
      tpu.wait_dma2 semaphore(%run_scoped3A : memref<!tpu.dma_semaphore, #tpu.memory_space<semaphore_mem>>) src(%arg6 : memref<64x1024xf32, #tpu.memory_space<vmem>>) dst(%dma_wait3A_44 : memref<64x1024xf32, #tpu.memory_space<hbm>>)
      tpu.yield
    }) : () -> ()
    %dma_start3A_25 = arith.constant 128 : i32
    %dma_start3A_26 = tpu.memref_slice %arg5[%dma_start3A_25] : memref<192xi32, #tpu.memory_space<vmem>> -> memref<64xi32, #tpu.memory_space<vmem>>
    %dma_start3A_27 = arith.constant 0 : i32
    %dma_start3A_28 = arith.constant 0 : i32
    %dma_start3A_29 = tpu.memref_slice %arg2[%dma_start3A_27, %dma_start3A_28] : memref<2048x1024xf32, #tpu.memory_space<hbm>> -> memref<2048x1024xf32, #tpu.memory_space<hbm>>
    tpu.enqueue_indirect_dma source(%dma_start3A_29 : memref<2048x1024xf32, #tpu.memory_space<hbm>>) target(%arg6 : memref<64x1024xf32, #tpu.memory_space<vmem>>) offsets(%dma_start3A_26 : memref<64xi32, #tpu.memory_space<vmem>>) semaphore(%arg7 : memref<!tpu.dma_semaphore, #tpu.memory_space<semaphore_mem>>)
    %dma_wait3A_30 = arith.constant 128 : i32
    %dma_wait3A_31 = tpu.memref_slice %arg5[%dma_wait3A_30] : memref<192xi32, #tpu.memory_space<vmem>> -> memref<64xi32, #tpu.memory_space<vmem>>
    %dma_wait3A_32 = arith.constant 0 : i32
    %dma_wait3A_33 = arith.constant 0 : i32
    %dma_wait3A_34 = tpu.memref_slice %arg2[%dma_wait3A_32, %dma_wait3A_33] : memref<2048x1024xf32, #tpu.memory_space<hbm>> -> memref<2048x1024xf32, #tpu.memory_space<hbm>>
    tpu.wait_indirect_dma semaphore(%arg7 : memref<!tpu.dma_semaphore, #tpu.memory_space<semaphore_mem>>) src(%dma_wait3A_34 : memref<2048x1024xf32, #tpu.memory_space<hbm>>) dst(%arg6 : memref<64x1024xf32, #tpu.memory_space<vmem>>)
    %add3A_35 = arith.constant 128 : i32
    %add3A_36 = arith.addi %mul3A_2, %add3A_35 : i32
    "tpu.region"() ({
      %run_scoped3A = tpu.sem_alloc : memref<!tpu.dma_semaphore, #tpu.memory_space<semaphore_mem>>
      %dma_start3A_37 = arith.constant 0 : i32
      %dma_start3A_38 = tpu.memref_slice %arg4[%add3A_36, %dma_start3A_37] : memref<6144x1024xf32, #tpu.memory_space<hbm>> -> memref<64x1024xf32, #tpu.memory_space<hbm>>
      %dma_start3A_39 = arith.constant 0 : i32
      %dma_start3A_40 = tpu.memref_slice %arg4[%add3A_36, %dma_start3A_39] : memref<6144x1024xf32, #tpu.memory_space<hbm>> -> memref<64x1024xf32, #tpu.memory_space<hbm>>
      tpu.enqueue_dma source(%arg6 : memref<64x1024xf32, #tpu.memory_space<vmem>>) target(%dma_start3A_40 : memref<64x1024xf32, #tpu.memory_space<hbm>>) target_semaphore(%run_scoped3A : memref<!tpu.dma_semaphore, #tpu.memory_space<semaphore_mem>>)
      %dma_wait3A_41 = arith.constant 0 : i32
      %dma_wait3A_42 = tpu.memref_slice %arg4[%add3A_36, %dma_wait3A_41] : memref<6144x1024xf32, #tpu.memory_space<hbm>> -> memref<64x1024xf32, #tpu.memory_space<hbm>>
      %dma_wait3A_43 = arith.constant 0 : i32
      %dma_wait3A_44 = tpu.memref_slice %arg4[%add3A_36, %dma_wait3A_43] : memref<6144x1024xf32, #tpu.memory_space<hbm>> -> memref<64x1024xf32, #tpu.memory_space<hbm>>
      tpu.wait_dma2 semaphore(%run_scoped3A : memref<!tpu.dma_semaphore, #tpu.memory_space<semaphore_mem>>) src(%arg6 : memref<64x1024xf32, #tpu.memory_space<vmem>>) dst(%dma_wait3A_44 : memref<64x1024xf32, #tpu.memory_space<hbm>>)
      tpu.yield
    }) : () -> ()
    return
  }
}

module attributes {stable_mosaic.version = 14 : i64} {
  func.func @_router_body(%arg0: memref<2048x1024xf32, #tpu.memory_space<vmem>>, %arg1: memref<8x1024xf32, #tpu.memory_space<vmem>>, %arg2: memref<2048x1xi32, #tpu.memory_space<vmem>>, %arg3: memref<2048x1xi32, #tpu.memory_space<vmem>>, %arg4: memref<2048x1xf32, #tpu.memory_space<vmem>>, %arg5: memref<2048x1xf32, #tpu.memory_space<vmem>>) attributes {dimension_semantics = [], scalar_prefetch = 0 : i64, scratch_operands = 0 : i64, tpu.core_type = #tpu.core_type<tc>} {
    %get3A = arith.constant 0 : index
    %get3A_0 = arith.constant 0 : index
    %get3A_1 = vector.load %arg0[%get3A, %get3A_0] : memref<2048x1024xf32, #tpu.memory_space<vmem>>, vector<2048x1024xf32>
    %get3A_2 = arith.constant 0 : index
    %get3A_3 = arith.constant 0 : index
    %get3A_4 = vector.load %arg1[%get3A_2, %get3A_3] : memref<8x1024xf32, #tpu.memory_space<vmem>>, vector<8x1024xf32>
    %dot_general3A = arith.constant dense<0.000000e+00> : vector<2048x8xf32>
    %dot_general3A_5 = tpu.matmul %get3A_1, %get3A_4, %dot_general3A {dimension_numbers = #tpu.dot_dimension_numbers<[1], [1], [0], [0], [0, 0, 1, 0], [], []>, transpose_lhs_hint = false} : vector<2048x1024xf32>, vector<8x1024xf32>, vector<2048x8xf32> -> vector<2048x8xf32>
    %reduce_max3A = arith.constant dense<0xFF800000> : vector<2048xf32>
    %reduce_max3A_6 = vector.multi_reduction <maximumf>, %dot_general3A_5, %reduce_max3A [1] : vector<2048x8xf32> to vector<2048xf32>
    %broadcast_in_dim3A = vector.shape_cast %reduce_max3A_6 : vector<2048xf32> to vector<2048x1xf32>
    %sub3A = vector.broadcast %broadcast_in_dim3A : vector<2048x1xf32> to vector<2048x8xf32>
    %sub3A_7 = arith.subf %dot_general3A_5, %sub3A : vector<2048x8xf32>
    %exp3A = math.exp %sub3A_7 : vector<2048x8xf32>
    %reduce_sum3A = arith.constant dense<0.000000e+00> : vector<2048xf32>
    %reduce_sum3A_8 = vector.multi_reduction <add>, %exp3A, %reduce_sum3A [1] : vector<2048x8xf32> to vector<2048xf32>
    %broadcast_in_dim3A_9 = vector.shape_cast %reduce_sum3A_8 : vector<2048xf32> to vector<2048x1xf32>
    %div3A = vector.broadcast %broadcast_in_dim3A_9 : vector<2048x1xf32> to vector<2048x8xf32>
    %div3A_10 = arith.divf %exp3A, %div3A : vector<2048x8xf32>
    %iota3A = tpu.iota {dimensions = array<i32: 1>} : vector<2048x8xi32>
    %reduce_max3A_11 = arith.constant dense<0xFF800000> : vector<2048xf32>
    %reduce_max3A_12 = vector.multi_reduction <maximumf>, %div3A_10, %reduce_max3A_11 [1] : vector<2048x8xf32> to vector<2048xf32>
    %broadcast_in_dim3A_13 = vector.shape_cast %reduce_max3A_12 : vector<2048xf32> to vector<2048x1xf32>
    %eq3A = vector.broadcast %broadcast_in_dim3A_13 : vector<2048x1xf32> to vector<2048x8xf32>
    %eq3A_14 = arith.cmpf oeq, %div3A_10, %eq3A : vector<2048x8xf32>
    %jit3A = arith.constant 8 : i32
    %broadcast_in_dim3A_15 = vector.broadcast %jit3A : i32 to vector<2048x8xi32>
    %select_n3A = arith.select %eq3A_14, %iota3A, %broadcast_in_dim3A_15 : vector<2048x8xi1>, vector<2048x8xi32>
    %reduce_min3A = arith.constant dense<2147483647> : vector<2048xi32>
    %reduce_min3A_16 = vector.multi_reduction <minsi>, %select_n3A, %reduce_min3A [1] : vector<2048x8xi32> to vector<2048xi32>
    %broadcast_in_dim3A_17 = vector.shape_cast %reduce_min3A_16 : vector<2048xi32> to vector<2048x1xi32>
    %eq3A_18 = vector.broadcast %broadcast_in_dim3A_17 : vector<2048x1xi32> to vector<2048x8xi32>
    %eq3A_19 = arith.cmpi eq, %iota3A, %eq3A_18 : vector<2048x8xi32>
    %jit3A_20 = arith.constant -1.000000e+00 : f32
    %broadcast_in_dim3A_21 = vector.broadcast %jit3A_20 : f32 to vector<2048x8xf32>
    %select_n3A_22 = arith.select %eq3A_19, %broadcast_in_dim3A_21, %div3A_10 : vector<2048x8xi1>, vector<2048x8xf32>
    %reduce_max3A_23 = arith.constant dense<0xFF800000> : vector<2048xf32>
    %reduce_max3A_24 = vector.multi_reduction <maximumf>, %select_n3A_22, %reduce_max3A_23 [1] : vector<2048x8xf32> to vector<2048xf32>
    %broadcast_in_dim3A_25 = vector.shape_cast %reduce_max3A_24 : vector<2048xf32> to vector<2048x1xf32>
    %eq3A_26 = vector.broadcast %broadcast_in_dim3A_25 : vector<2048x1xf32> to vector<2048x8xf32>
    %eq3A_27 = arith.cmpf oeq, %select_n3A_22, %eq3A_26 : vector<2048x8xf32>
    %jit3A_28 = arith.constant 8 : i32
    %broadcast_in_dim3A_29 = vector.broadcast %jit3A_28 : i32 to vector<2048x8xi32>
    %select_n3A_30 = arith.select %eq3A_27, %iota3A, %broadcast_in_dim3A_29 : vector<2048x8xi1>, vector<2048x8xi32>
    %reduce_min3A_31 = arith.constant dense<2147483647> : vector<2048xi32>
    %reduce_min3A_32 = vector.multi_reduction <minsi>, %select_n3A_30, %reduce_min3A_31 [1] : vector<2048x8xi32> to vector<2048xi32>
    %broadcast_in_dim3A_33 = vector.shape_cast %reduce_min3A_32 : vector<2048xi32> to vector<2048x1xi32>
    %add3A = arith.addf %broadcast_in_dim3A_13, %broadcast_in_dim3A_25 : vector<2048x1xf32>
    %jit3A_34 = arith.constant 9.99999971E-10 : f32
    %max3A = vector.broadcast %jit3A_34 : f32 to vector<2048x1xf32>
    %max3A_35 = arith.maximumf %max3A, %add3A : vector<2048x1xf32>
    %swap3A = arith.constant 0 : index
    %swap3A_36 = arith.constant 0 : index
    %swap3A_37 = vector.load %arg2[%swap3A, %swap3A_36] : memref<2048x1xi32, #tpu.memory_space<vmem>>, vector<2048x1xi32>
    tpu.vector_store %arg2[%swap3A, %swap3A_36], %broadcast_in_dim3A_17 {strides = array<i32>} : memref<2048x1xi32, #tpu.memory_space<vmem>>, vector<2048x1xi32>,
    %swap3A_38 = arith.constant 0 : index
    %swap3A_39 = arith.constant 0 : index
    %swap3A_40 = vector.load %arg3[%swap3A_38, %swap3A_39] : memref<2048x1xi32, #tpu.memory_space<vmem>>, vector<2048x1xi32>
    tpu.vector_store %arg3[%swap3A_38, %swap3A_39], %broadcast_in_dim3A_33 {strides = array<i32>} : memref<2048x1xi32, #tpu.memory_space<vmem>>, vector<2048x1xi32>,
    %div3A_41 = arith.divf %broadcast_in_dim3A_13, %max3A_35 : vector<2048x1xf32>
    %swap3A_42 = arith.constant 0 : index
    %swap3A_43 = arith.constant 0 : index
    %swap3A_44 = vector.load %arg4[%swap3A_42, %swap3A_43] : memref<2048x1xf32, #tpu.memory_space<vmem>>, vector<2048x1xf32>
    tpu.vector_store %arg4[%swap3A_42, %swap3A_43], %div3A_41 {strides = array<i32>} : memref<2048x1xf32, #tpu.memory_space<vmem>>, vector<2048x1xf32>,
    %div3A_45 = arith.divf %broadcast_in_dim3A_25, %max3A_35 : vector<2048x1xf32>
    %swap3A_46 = arith.constant 0 : index
    %swap3A_47 = arith.constant 0 : index
    %swap3A_48 = vector.load %arg5[%swap3A_46, %swap3A_47] : memref<2048x1xf32, #tpu.memory_space<vmem>>, vector<2048x1xf32>
    tpu.vector_store %arg5[%swap3A_46, %swap3A_47], %div3A_45 {strides = array<i32>} : memref<2048x1xf32, #tpu.memory_space<vmem>>, vector<2048x1xf32>,
    return
  }
}

module attributes {stable_mosaic.version = 14 : i64} {
  func.func @_ffn_body(%arg0: i32, %arg1: i32, %arg2: memref<24xi32, #tpu.memory_space<smem>>, %arg3: memref<256x1024xf32, #tpu.memory_space<vmem>>, %arg4: memref<256x1xf32, #tpu.memory_space<vmem>>, %arg5: memref<1x512x1024xf32, #tpu.memory_space<vmem>>, %arg6: memref<1x1024x512xf32, #tpu.memory_space<vmem>>, %arg7: memref<256x1024xf32, #tpu.memory_space<vmem>>, %arg8: memref<256x1024xf32, #tpu.memory_space<vmem>>) attributes {dimension_semantics = [#tpu.dimension_semantics<arbitrary>, #tpu.dimension_semantics<arbitrary>], iteration_bounds = array<i64: 24, 8>, scalar_prefetch = 1 : i64, scratch_operands = 1 : i64, tpu.core_type = #tpu.core_type<tc>, window_params = [{transform_indices = @transform_0, window_bounds = array<i64: 256, 1024>}, {transform_indices = @transform_1, window_bounds = array<i64: 256, 1>}, {transform_indices = @transform_2, window_bounds = array<i64: 1, 512, 1024>}, {transform_indices = @transform_3, window_bounds = array<i64: 1, 1024, 512>}, {transform_indices = @transform_4, window_bounds = array<i64: 256, 1024>}]} {
    %eq3A = arith.constant 0 : i32
    %eq3A_0 = arith.cmpi eq, %arg1, %eq3A : i32
    %convert_element_type3A = arith.extui %eq3A_0 : i1 to i32
    %cond3A = arith.constant 0 : i32
    %cond3A_1 = arith.cmpi ne, %convert_element_type3A, %cond3A : i32
    scf.if %cond3A_1 {
      %broadcast_in_dim3A = arith.constant 0.000000e+00 : f32
      %broadcast_in_dim3A_36 = vector.broadcast %broadcast_in_dim3A : f32 to vector<256x1024xf32>
      %swap3A_37 = arith.constant 0 : index
      %swap3A_38 = arith.constant 0 : index
      %swap3A_39 = vector.load %arg8[%swap3A_37, %swap3A_38] : memref<256x1024xf32, #tpu.memory_space<vmem>>, vector<256x1024xf32>
      tpu.vector_store %arg8[%swap3A_37, %swap3A_38], %broadcast_in_dim3A_36 {strides = array<i32>} : memref<256x1024xf32, #tpu.memory_space<vmem>>, vector<256x1024xf32>,
    } else {
    }
    %get3A = arith.constant 0 : index
    %get3A_2 = arith.constant 0 : index
    %get3A_3 = vector.load %arg3[%get3A, %get3A_2] : memref<256x1024xf32, #tpu.memory_space<vmem>>, vector<256x1024xf32>
    %get3A_4 = arith.constant 0 : index
    %get3A_5 = arith.constant 0 : index
    %get3A_6 = arith.constant 0 : index
    %get3A_7 = vector.load %arg5[%get3A_4, %get3A_5, %get3A_6] : memref<1x512x1024xf32, #tpu.memory_space<vmem>>, vector<1x512x1024xf32>
    %get3A_8 = vector.shape_cast %get3A_7 : vector<1x512x1024xf32> to vector<512x1024xf32>
    %dot_general3A = arith.constant dense<0.000000e+00> : vector<256x512xf32>
    %dot_general3A_9 = tpu.matmul %get3A_3, %get3A_8, %dot_general3A {dimension_numbers = #tpu.dot_dimension_numbers<[1], [1], [0], [0], [0, 0, 1, 0], [], []>, transpose_lhs_hint = false} : vector<256x1024xf32>, vector<512x1024xf32>, vector<256x512xf32> -> vector<256x512xf32>
    %mul3A = arith.constant 5.000000e-01 : f32
    %mul3A_10 = vector.broadcast %mul3A : f32 to vector<256x512xf32>
    %mul3A_11 = arith.mulf %mul3A_10, %dot_general3A_9 : vector<256x512xf32>
    %mul3A_12 = arith.constant 0.707106769 : f32
    %mul3A_13 = vector.broadcast %mul3A_12 : f32 to vector<256x512xf32>
    %mul3A_14 = arith.mulf %dot_general3A_9, %mul3A_13 : vector<256x512xf32>
    %erf3A = math.erf %mul3A_14 : vector<256x512xf32>
    %add3A = arith.constant 1.000000e+00 : f32
    %add3A_15 = vector.broadcast %add3A : f32 to vector<256x512xf32>
    %add3A_16 = arith.addf %add3A_15, %erf3A : vector<256x512xf32>
    %mul3A_17 = arith.mulf %mul3A_11, %add3A_16 : vector<256x512xf32>
    %get3A_18 = arith.constant 0 : index
    %get3A_19 = arith.constant 0 : index
    %get3A_20 = vector.load %arg8[%get3A_18, %get3A_19] : memref<256x1024xf32, #tpu.memory_space<vmem>>, vector<256x1024xf32>
    %get3A_21 = arith.constant 0 : index
    %get3A_22 = arith.constant 0 : index
    %get3A_23 = arith.constant 0 : index
    %get3A_24 = vector.load %arg6[%get3A_21, %get3A_22, %get3A_23] : memref<1x1024x512xf32, #tpu.memory_space<vmem>>, vector<1x1024x512xf32>
    %get3A_25 = vector.shape_cast %get3A_24 : vector<1x1024x512xf32> to vector<1024x512xf32>
    %dot_general3A_26 = arith.constant dense<0.000000e+00> : vector<256x1024xf32>
    %dot_general3A_27 = tpu.matmul %mul3A_17, %get3A_25, %dot_general3A_26 {dimension_numbers = #tpu.dot_dimension_numbers<[1], [1], [0], [0], [0, 0, 1, 0], [], []>, transpose_lhs_hint = false} : vector<256x512xf32>, vector<1024x512xf32>, vector<256x1024xf32> -> vector<256x1024xf32>
    %add3A_28 = arith.addf %get3A_20, %dot_general3A_27 : vector<256x1024xf32>
    %swap3A = arith.constant 0 : index
    %swap3A_29 = arith.constant 0 : index
    %swap3A_30 = vector.load %arg8[%swap3A, %swap3A_29] : memref<256x1024xf32, #tpu.memory_space<vmem>>, vector<256x1024xf32>
    tpu.vector_store %arg8[%swap3A, %swap3A_29], %add3A_28 {strides = array<i32>} : memref<256x1024xf32, #tpu.memory_space<vmem>>, vector<256x1024xf32>,
    %eq3A_31 = arith.constant 7 : i32
    %eq3A_32 = arith.cmpi eq, %arg1, %eq3A_31 : i32
    %convert_element_type3A_33 = arith.extui %eq3A_32 : i1 to i32
    %cond3A_34 = arith.constant 0 : i32
    %cond3A_35 = arith.cmpi ne, %convert_element_type3A_33, %cond3A_34 : i32
    scf.if %cond3A_35 {
      %get3A_36 = arith.constant 0 : index
      %get3A_37 = arith.constant 0 : index
      %get3A_38 = vector.load %arg8[%get3A_36, %get3A_37] : memref<256x1024xf32, #tpu.memory_space<vmem>>, vector<256x1024xf32>
      %get3A_39 = arith.constant 0 : index
      %get3A_40 = arith.constant 0 : index
      %get3A_41 = vector.load %arg4[%get3A_39, %get3A_40] : memref<256x1xf32, #tpu.memory_space<vmem>>, vector<256x1xf32>
      %mul3A_42 = vector.broadcast %get3A_41 : vector<256x1xf32> to vector<256x1024xf32>
      %mul3A_43 = arith.mulf %get3A_38, %mul3A_42 : vector<256x1024xf32>
      %swap3A_44 = arith.constant 0 : index
      %swap3A_45 = arith.constant 0 : index
      %swap3A_46 = vector.load %arg7[%swap3A_44, %swap3A_45] : memref<256x1024xf32, #tpu.memory_space<vmem>>, vector<256x1024xf32>
      tpu.vector_store %arg7[%swap3A_44, %swap3A_45], %mul3A_43 {strides = array<i32>} : memref<256x1024xf32, #tpu.memory_space<vmem>>, vector<256x1024xf32>,
    } else {
    }
    return
  }
  func.func @transform_0(%arg0: i32, %arg1: i32, %arg2: memref<24xi32, #tpu.memory_space<smem>>) -> (i32, i32) {
    %c0_i32 = arith.constant 0 : i32
    %c0_i32_0 = arith.constant 0 : i32
    return %arg0, %c0_i32 : i32, i32
  }
  func.func @transform_1(%arg0: i32, %arg1: i32, %arg2: memref<24xi32, #tpu.memory_space<smem>>) -> (i32, i32) {
    %c0_i32 = arith.constant 0 : i32
    %c0_i32_0 = arith.constant 0 : i32
    return %arg0, %c0_i32 : i32, i32
  }
  func.func @transform_2(%arg0: i32, %arg1: i32, %arg2: memref<24xi32, #tpu.memory_space<smem>>) -> (i32, i32, i32) {
    %get3A = arith.index_cast %arg0 : i32 to index
    %get3A_0 = memref.load %arg2[%get3A] : memref<24xi32, #tpu.memory_space<smem>>
    %c0_i32 = arith.constant 0 : i32
    %c0_i32_1 = arith.constant 0 : i32
    return %get3A_0, %arg1, %c0_i32 : i32, i32, i32
  }
  func.func @transform_3(%arg0: i32, %arg1: i32, %arg2: memref<24xi32, #tpu.memory_space<smem>>) -> (i32, i32, i32) {
    %get3A = arith.index_cast %arg0 : i32 to index
    %get3A_0 = memref.load %arg2[%get3A] : memref<24xi32, #tpu.memory_space<smem>>
    %c0_i32 = arith.constant 0 : i32
    %c0_i32_1 = arith.constant 0 : i32
    return %get3A_0, %c0_i32, %arg1 : i32, i32, i32
  }
  func.func @transform_4(%arg0: i32, %arg1: i32, %arg2: memref<24xi32, #tpu.memory_space<smem>>) -> (i32, i32) {
    %c0_i32 = arith.constant 0 : i32
    %c0_i32_0 = arith.constant 0 : i32
    return %arg0, %c0_i32 : i32, i32
  }
}

</mosaic_0001>

<sc_bundles>
// kernel: gather_offload_async_start.1
scs
__scs_entry_jumppad:
0x0: {  	(pc) =	sbr.rel $0x88, $3  }
0x1: {  	(tag) =	ssettag $0x0;
	lr =	simm.s32 $0x1  }
0x2: {  	[smem:$0x3F9D] =	sst lr;
	_ =	strace $0xD0000000  }
0x3: {  	_ = 	snop  }
0x4: {  	_ = 	snop  }
0x5: {  	_ = 	snop  }
0x6: {  	_ = 	snop  }
0x7: {  	_ = 	snop  }
__scs_overlays_trampoline_lowered:
0x8: {  	[smem:$0x3FAC] =	sst s0  }
0x9: {  	[smem:$0x3FAD] =	sst s1  }
0xa: {  	[smem:$0x3FAE] =	sst s2  }
0xb: {  	[smem:$0x3FAF] =	sst s3  }
0xc: {  	[smem:$0x3FB0] =	sst s4  }
0xd: {  	[smem:$0x3FB1] =	sst s5  }
0xe: {  	[smem:$0x3FB2] =	sst s6  }
0xf: {  	[smem:$0x3FB3] =	sst s7  }
0x10: {  	[smem:$0x3FB4] =	sst s8  }
0x11: {  	[smem:$0x3FB5] =	sst s9;
	s0 =	simm.s32 @!p0 $0x0  }
0x12: {  	s1 =	sld [smem:$0x3F9B];
	s0 =	simm.s32 @p0 $0x1  }
0x13: {  	[smem:$0x3FB6] =	sst s0;
	s0 =	simm.s32 @!p1 $0x0  }
0x14: {  	s2 =	sld [smem:$0x3F9A];
	s0 =	simm.s32 @p1 $0x1  }
0x15: {  	[smem:$0x3FB7] =	sst s0;
	s0 =	simm.s32 @!p2 $0x0  }
0x16: {  	s3 =	sld [smem:$0x3FDB];
	s0 =	simm.s32 @p2 $0x1  }
0x17: {  	s4 =	simm.s32 $0x1BF5;
	[smem:$0x3FB9] =	sst s0  }
0x18: {  	s0 =	sld [smem:$0x3F9C];
	_ =	swait.ge [sflag:s4], $0x0  }
0x19: {  	s7 =	sld [smem:$0x3F9D]  }
0x1a: {  	s8 =	sadd.s32 $0xFFFFE003, lr  }
0x1b: {  	s9 =	sadd.s32 $0xFFFFFEF7, lr;
	s5 =	simm.s32 $0xFFFFFFFF;
	p2 =	slt.u32 s8, $0xFFFFF086  }
0x1c: {  	p1 =	slt.u32 s9, $0xF7A;
	s5 =	simm.s32 @!p2 $0x0  }
0x1d: {  	s5 =	simm.s32 @p1 $0x1;
	p0 =	seq.s32 s7, s2  }
0x1e: {  	s7 =	smul.u32 @!p0 $0xF7A, s2;
	p2 =	seq.s32 @!p0 s5, $0x0  }
0x1f: {  	s9 =	smul.u32 $0xF7A, s1;
	s8 =	simm.s32 @!p0 $0x1BF5;
	p2 =	por !p2, p0  }
0x20: {  	[sflag:s8] =	ssyncset.s32 @!p0 $0xFFFFF086;
	s6 =	sadd.s32 @!p0 s3, s7;
	s7 =	simm.s32 @!p0 $0x108  }
0x21: {  	s3 =	sadd.s32 s3, s9;
	s6 =	sadd.s32 @!p0 $0x88, s6;
	s7 =	simm.s32 @p2 $0x1082  }
0x22: {  	[simem:s7], [sflag:s8] =	dma.local @!p0 [hbm:s6], $0xF7A  }
0x23: {  	s9 =	sor.u32 $0xD0000000, s2;
	s6 =	simm.s32 $0x108;
	_ =	swait.ge @!p0 [sflag:s8], $0x0  }
0x24: {  	s3 =	sadd.s32 $0x88, s3;
	s6 =	simm.s32 @!p1 $0x1082;
	[sflag:s4] =	ssyncset.s32 $0xFFFFF086  }
0x25: {  	[simem:s6], [sflag:s4] =	dma.local [hbm:s3], $0xF7A  }
0x26: {  	[smem:$0x3F9D] =	sst s1;
	(tag) =	ssettag s2;
	_ =	strace s9  }
0x27: {  	s1 =	sld [smem:$0x3FAD]  }
0x28: {  	s2 =	sld [smem:$0x3FAE]  }
0x29: {  	s4 =	sld [smem:$0x3FB0]  }
0x2a: {  	p0 =	seq.s32 s5, $0x0;
	s5 =	sld [smem:$0x3FB1]  }
0x2b: {  	s6 =	sld [smem:$0x3FB2]  }
0x2c: {  	s7 =	sld [smem:$0x3FB3]  }
0x2d: {  	s3 =	simm.s32 $0x108;
	s8 =	sld [smem:$0x3FB4]  }
0x2e: {  	s3 =	simm.s32 @!p0 $0x1082;
	s9 =	sld [smem:$0x3FB5]  }
0x2f: {  	lr =	sadd.s32 s0, s3;
	s0 =	sld [smem:$0x3FAC]  }
0x30: {  	s3 =	sld [smem:$0x3FAF]  }
0x31: {  	[smem:$0x3FB8] =	sst s10  }
0x32: {  	s10 =	sld [smem:$0x3FB6];
	_ =	sdelay $0x3  }
0x33: {  	p0 =	seq.s32 s10, $0x1;
	s10 =	sld [smem:$0x3FB8];
	_ =	sdelay $0x3  }
0x34: {  	[smem:$0x3FB8] =	sst s10  }
0x35: {  	s10 =	sld [smem:$0x3FB7];
	_ =	sdelay $0x3  }
0x36: {  	p1 =	seq.s32 s10, $0x1;
	s10 =	sld [smem:$0x3FB8];
	_ =	sdelay $0x3  }
0x37: {  	[smem:$0x3FB8] =	sst s10  }
0x38: {  	s10 =	sld [smem:$0x3FB9]  }
0x39: {  	_ = 	snop;
	(pc) =	sbr.ind lr, $3  }
0x3a: {  	_ = 	snop  }
0x3b: {  	_ = 	snop  }
0x3c: {  	p2 =	seq.s32 s10, $0x1;
	s10 =	sld [smem:$0x3FB8]  }
0x3d: {  	_ =	shalt  }
0x3e: {  	_ =	shalt  }
0x3f: {  	_ =	shalt  }
0x40: {  	_ =	shalt  }
0x41: {  	_ =	shalt  }
0x42: {  	_ =	shalt  }
0x43: {  	_ =	shalt  }
0x44: {  	_ =	shalt  }
0x45: {  	_ =	shalt  }
0x46: {  	_ =	shalt  }
0x47: {  	_ =	shalt  }
0x48: {  	_ =	shalt  }
0x49: {  	_ =	shalt  }
0x4a: {  	_ =	shalt  }
0x4b: {  	_ =	shalt  }
0x4c: {  	_ =	shalt  }
0x4d: {  	_ =	shalt  }
0x4e: {  	_ =	shalt  }
0x4f: {  	_ =	shalt  }
0x50: {  	_ =	shalt  }
0x51: {  	_ =	shalt  }
0x52: {  	_ =	shalt  }
0x53: {  	_ =	shalt  }
0x54: {  	_ =	shalt  }
0x55: {  	_ =	shalt  }
0x56: {  	_ =	shalt  }
0x57: {  	_ =	shalt  }
0x58: {  	_ =	shalt  }
0x59: {  	_ =	shalt  }
0x5a: {  	_ =	shalt  }
0x5b: {  	_ =	shalt  }
0x5c: {  	_ =	shalt  }
0x5d: {  	_ =	shalt  }
0x5e: {  	_ =	shalt  }
0x5f: {  	_ =	shalt  }
0x60: {  	_ =	shalt  }
0x61: {  	_ =	shalt  }
0x62: {  	_ =	shalt  }
0x63: {  	_ =	shalt  }
0x64: {  	_ =	shalt  }
0x65: {  	_ =	shalt  }
0x66: {  	_ =	shalt  }
0x67: {  	_ =	shalt  }
0x68: {  	_ =	shalt  }
0x69: {  	_ =	shalt  }
0x6a: {  	_ =	shalt  }
0x6b: {  	_ =	shalt  }
0x6c: {  	_ =	shalt  }
0x6d: {  	_ =	shalt  }
0x6e: {  	_ =	shalt  }
0x6f: {  	_ =	shalt  }
0x70: {  	_ =	shalt  }
0x71: {  	_ =	shalt  }
0x72: {  	_ =	shalt  }
0x73: {  	_ =	shalt  }
0x74: {  	_ =	shalt  }
0x75: {  	_ =	shalt  }
0x76: {  	_ =	shalt  }
0x77: {  	_ =	shalt  }
0x78: {  	_ =	shalt  }
0x79: {  	_ =	shalt  }
0x7a: {  	_ =	shalt  }
0x7b: {  	_ =	shalt  }
0x7c: {  	_ =	shalt  }
0x7d: {  	_ =	shalt  }
0x7e: {  	_ =	shalt  }
0x7f: {  	_ =	shalt  }
0x80: {  	_ =	shalt  }
0x81: {  	_ =	shalt  }
0x82: {  	_ =	shalt  }
0x83: {  	_ =	shalt  }
0x84: {  	_ =	shalt  }
0x85: {  	_ =	shalt  }
0x86: {  	_ =	shalt  }
0x87: {  	_ =	shalt  }
.Lfunc_end0:
.L_simem_size_0:
called_computation.1_lowered:
.L_overlay_start_0:
0x88: {  	s2 =	sld [smem:$0x3FD9]  }
0x89: {  	s3 =	sld [smem:$0x3FFE];
	_ =	sdelay $0x1  }
0x8a: {  	s1 =	srdreg.scid  }
0x8b: {  	s0 =	sand.u32 $0x1, s1  }
0x8c: {  	s16 =	sshll.u32 s0, $0xA;
	s2 =	sadd.s32 s3, s2  }
0x8d: {  	s2 =	sadd.s32 s2, s16  }
0x8e: {  	[smem:$0x3FC4] =	sst s2  }
0x8f: {  	_ = 	snop  }
0x90: {  	(tm) =	ssettm $0x1  }
0x91: {  	s17 =	sld [smem:$0x3FFB];
	_ =	sdelay $0x3  }
0x92: {  	_ =	strace s17  }
0x93: {  	s2 =	sld [smem:$0x3FFC];
	_ =	sdelay $0x3  }
0x94: {  	_ =	strace s2  }
0x95: {  	s2 =	sld [smem:$0x3FFD];
	_ =	sdelay $0x3  }
0x96: {  	_ =	strace s2  }
0x97: {  	_ =	strace $0x8FFFFFFF  }
0x98: {  	s18 =	sld [smem:$0x3FDB];
	_ =	sdelay $0x1  }
0x99: {  	s19 =	simm.s32 $_scs_section_size  }
0x9a: {  	s4 =	simm.s32 $_size__tile_overlayer_lowered;
	s5 =	simm.s32 $_tile_overlayer_lowered  }
0x9b: {  	s22 =	simm.s32 $0x1BFF;
	s21 =	sshll.u32 s5, $0x1;
	s2 =	sadd.s32 s19, s18  }
0x9c: {  	s6 =	simm.s32 $0x0;
	s20 =	sshll.u32 s4, $0x1;
	s4 =	sadd.s32 s21, s2  }
0x9d: {  	[timem:s6], [sflag:s22] =	dma.local [hbm:s4], s20  }
0x9e: {  	_ =	swait.ge [sflag:s22], s20  }
0x9f: {  	s3 =	ssub.s32 $0x0, s20;
	[sflag:s22] =	ssyncset.done $0x0  }
0xa0: {  	[sflag:s22] =	ssyncadd.s32 s3;
	_ =	sdelay $0x1  }
0xa1: {  	s23 =	simm.s32 $0x1B8B  }
0xa2: {  	_ =	swait.ge [sflag:s23], $0x1  }
0xa3: {  	[sflag:s23] =	ssyncset.done $0x0  }
0xa4: {  	s25 =	simm.s32 $0x1B8E;
	s24 =	sld [smem:$0x3FFE];
	[sflag:s23] =	ssyncadd.s32 $0xFFFFFFFF  }
0xa5: {  	s26 =	simm.s32 $execute0_lowered;
	[smem:$0x3FD2] =	sst s25  }
0xa6: {  	s4 =	sshll.u32 s26, $0x1;
	_ =	strace $0x80000049;
	[dreg:$0x1] =	wrdreg $0xFFFFFFFF  }
0xa7: {  	s28 =	simm.s32 $_size_execute0_lowered;
	s2 =	sadd.s32 s2, s4;
	[dreg:$0x0] =	wrdreg $0x0  }
0xa8: {  	s4 =	sshll.u32 s28, $0x1;
	[dreg:$0x2] =	wrdreg s2  }
0xa9: {  	[dreg:$0x3] =	wrdreg s4  }
0xaa: {  	[dreg:$0x4] =	wrdreg $0xC0  }
0xab: {  	_ =	task [dreg:s6], $0x5FFFF  }
0xac: {  	[dreg:$0x1] =	wrdreg $0xFFFFFFFF  }
0xad: {  	[dreg:$0x0] =	wrdreg $0x60  }
0xae: {  	[dreg:$0x2] =	wrdreg s24  }
0xaf: {  	[dreg:$0x3] =	wrdreg $0xA  }
0xb0: {  	_ =	task.clear_ibuf [dreg:s6], $0x4FFFF;
	_ =	strace $0x90000049  }
0xb1: {  	s29 =	simm.s32 $0xA;
	_ =	strace $0x8000004B  }
0xb2: {  	_ =	swait.ge [sflag:s29], $0x1  }
0xb3: {  	[sflag:s29] =	ssyncadd.s32 $0xFFFFFFFF  }
0xb4: {  	_ =	strace $0x9000004B  }
0xb5: {  	_ =	sfence  }
0xb6: {  	s30 =	sld [smem:$0x0];
	_ =	sdelay $0x2  }
0xb7: {  	s31 =	sshll.u32 s1, $0xD;
	s1 =	sshrl.u32 s1, $0x2  }
0xb8: {  	s3 =	sand.u32 $0x4000, s31;
	s1 =	sadd.s32 s1, s30  }
0xb9: {  	s0 =	sor.u32 s3, s0;
	s1 =	sshll.u32 s1, $0x11  }
0xba: {  	s0 =	sor.u32 s1, s0  }
0xbb: {  	s0 =	sadd.s32 $0x8F2B, s0  }
0xbc: {  	[sflag:s0] =	ssyncadd.remote.s32 $0x1  }
0xbd: {  	_ =	sfence.sel $0xFFFF  }
0xbe: {  	[dreg:$0x0] =	wrdreg $0xFFFFFFFF;
	(pc) =	sbr.abs _section_cstart, $3  }
0xbf: {  	[dreg:$0x1] =	wrdreg $0xFFFFFFFF  }
0xc0: {  	_ =	task.clear_ibuf [dreg:s6], $0x2FFFF;
	_ =	strace $0x9FFFFFFF  }
0xc1: {  	(tm) =	ssettm $0x7FFFFFFF  }
tec
execute0_lowered:
.L_overlay_start_1:
0x0: {  	(tag) =	ssettag $0x1  }
0x1: {  	s0 =	srdreg.scid;
	s5 =	rddreg [dreg:$0x0]  }
0x2: {  	s1 =	stileid.u32;
	s6 =	simm.s32 $0x1;
	s9 =	simm.s32 $0x1  }
0x3: {  	s10 =	simm.s32 $0x3;
	s13 =	simm.s32 $0x0;
	s2 =	sshll.u32 s0, $0x6  }
0x4: {  	s12 =	simm.s32 $0x0;
	s3 =	sshll.u32 s1, $0x7;
	s2 =	sand.u32 $0x40, s2  }
0x5: {  	s0 =	rddreg [dreg:$0x1];
	_ =	strace $0x8000004A;
	s2 =	sor.u32 s3, s2  }
0x6: {  	s4 =	sadd.s32 $0x1000, s5;
	[sflag:s6] =	ssyncpa.u1 $0x0;
	s8 =	ssub.s32 $0x1000, s2  }
.Ltmp0:
0x7: {  	s3 =	sadd.s32 $0xE00, s5;
	s7 =	sand.u32 $0x7C0, s8;
	(pc) =	sbr.rel .LBB2_1-.Ltmp0, $4  }
0x8: {  	s5 =	sadd.s32 $0x200, s5;
	s11 =	smov.u32 s2;
	p0 =	sne.s32 s7, $0x0  }
0x9: {  	s8 =	sshrl.u32 s8, $0xB;
	s7 =	simm.s32 $0x2;
	s9 =	simm.s32 @!p0 $0x0  }
0xa: {  	[sflag:s7] =	ssyncpa.u1 $0x0;
	p0 =	por $0x0, $0x0;
	s8 =	sadd.s32 s9, s8  }
0xb: {  	vm0 =	vmmov $0xffff;
	[sflag:s10] =	ssyncpa.u1 $0x0;
	s10 =	simm.s32 $0x0;
	s9 =	sadd.s32 $0x1, s8  }
.LBB2_4:
0xc: {  	v2 =	vnsel vm1, $0x0, v2  }
0xd: {  	vm1 =	vgt.s32 v0, $0x0;
	v2 =	vmin.u32 v2, $0xFFF  }
0xe: {  	v0 =	vnsel vm1, $0x0, v0  }
0xf: {  	v0 =	vmin.u32 v0, $0xFFF  }
0x10: {  	[tilespmem:s15], [sflag:$0x1] =	stream.indirect_vreg.gather [hbm4b:s3+s10], $0x1, v1, vm0, $0x4038;
	[tilespmem:$0x100] =	vst v63  }
0x11: {  	(ifvalue) =	ssetifvalue $0x7FFFFFFF  }
0x12: {  	[tilespmem:s16], [sflag:$0x1] =	stream.indirect_vreg.gather [hbm4b:s3+s10], $0x1, v2, vm0, $0x4038;
	[tilespmem:$0x100] =	vst v63  }
0x13: {  	s29 =	sadd.s32 $0x10, s16;
	(ifvalue) =	ssetifvalue $0x7FFFFFFF  }
0x14: {  	[tilespmem:s29], [sflag:$0x1] =	stream.indirect_vreg.gather [hbm4b:s3+s10], $0x1, v0, vm0, $0x4038;
	[tilespmem:$0x100] =	vst v63  }
0x15: {  	_ =	swait.ge [sflag:s6], $0x40  }
0x16: {  	s30 =	sshrl.u32 s13, $0x3;
	[sflag:s6] =	ssyncset.done $0x0  }
0x17: {  	s31 =	sand.u32 $0x7, s13;
	s15 =	sadd.s32 s5, s30;
	[sflag:s6] =	ssyncadd.s32 $0xFFFFFFC0  }
0x18: {  	[hbm4b:s15+s31] =	stream.linear.scatter [tilespmem:s14], [sflag:$0x3], $0x40, $0x38;
	[tilespmem:$0x100] =	vst v63  }
.LBB2_5:
0x19: {  	s15 =	sadd.s32 $0x800, s11  }
0x1a: {  	p2 =	sgt.s32 s15, $0xFFF  }
0x1b: {  	s15 =	smov.u32 @p2 s2;
	p2 =	sne.s32 s12, s9  }
.Ltmp1:
0x1c: {  	p1 =	slt.u32 s12, $0x2;
	(pc) =	sbr.rel @!p2 .LBB2_6-.Ltmp1, $4  }
0x1d: {  	s14 =	simm.s32 @!p1 $0x3  }
0x1e: {  	s16 =	sadd.s32 $0x1, s12;
	_ =	swait.ge @!p1 [sflag:s14], $0x40  }
0x1f: {  	s13 =	smov.u32 s11;
	p0 =	por !p0, !p0;
	[sflag:s14] =	ssyncset.done @!p1 $0x0  }
0x20: {  	s12 =	smov.u32 s16;
	s11 =	smov.u32 s15;
	[sflag:s14] =	ssyncadd.s32 @!p1 $0xFFFFFFC0  }
.LBB2_1:
0x21: {  	p1 =	sge.u32 s12, s8  }
0x22: {  	s14 =	sxor.u32 @!p1 $0xFFFFFFFF, s12  }
0x23: {  	s31 =	sadd.s32 $0xFFFFFFFF, s12;
	s15 =	sshrl.u32 @!p1 s11, $0x3;
	s14 =	sshll.u32 @!p1 s14, $0x6  }
0x24: {  	s16 =	sand.u32 @!p1 $0x7, s11;
	s15 =	sadd.s32 @!p1 s4, s15;
	s14 =	sand.u32 @!p1 $0x40, s14  }
0x25: {  	[tilespmem:s14], [sflag:$0x2] =	stream.linear.gather @!p1 [hbm4b:s15+s16], $0x40, $0x38;
	[tilespmem:$0x100] =	vst v63  }
0x26: {  	p1 =	sge.u32 s31, s8  }
.Ltmp2:
0x27: {  	_ = 	snop;
	(pc) =	sbr.rel @p1 .LBB2_5-.Ltmp2, $1  }
0x28: {  	_ =	sdelay $0x3  }
0x29: {  	s14 =	simm.s32 $0x1  }
0x2a: {  	_ =	swait.ge [sflag:s7], $0x40;
	s14 =	simm.s32 @!p0 $0x0  }
0x2b: {  	[sflag:s7] =	ssyncset.done $0x0;
	s14 =	sshll.u32 s14, $0x6  }
0x2c: {  	[sflag:s7] =	ssyncadd.s32 $0xFFFFFFC0;
	(ifvalue) =	ssetifvalue $0x7FFFFFFF;
	v0 =	vld.msk [tilespmem:s14+$0x0 ss:$0x1], $0xffff;
	_ =	sdelay $0x4  }
0x2d: {  	s15 =	sadd.s32 $0x10, s14;
	vm1 =	vgt.s32 v0, $0x0  }
0x2e: {  	v2 =	vld.msk [tilespmem:s15+$0x0 ss:$0x1], $0xffff;
	v1 =	vnsel vm1, $0x0, v0  }
0x2f: {  	v1 =	vmin.u32 v1, $0xFFF;
	_ =	sdelay $0x1  }
0x30: {  	s16 =	sshll.u32 s12, $0x6;
	s18 =	simm.s32 $0x20  }
0x31: {  	s16 =	sand.u32 $0x40, s16;
	s17 =	sadd.s32 $0x10, s15;
	s15 =	sor.u32 $0x80, s14  }
0x32: {  	s14 =	sor.u32 $0x80, s16;
	s16 =	sadd.s32 $0x10, s15;
	v0 =	vld.msk [tilespmem:s17+$0x0 ss:$0x1], $0xffff;
	vm1 =	vgt.s32 v2, $0x0;
	(ifvalue) =	ssetifvalue $0x7FFFFFFF  }
.LBB2_3:
0x33: {  	[tilespmem:s15], [sflag:$0x1] =	stream.indirect_vreg.gather [hbm4b:s3+s10], $0x1, v1, vm0, $0x4038;
	[tilespmem:$0x100] =	vst v63  }
0x34: {  	s18 =	sadd.s32 $0x10, s18  }
0x35: {  	v2 =	vnsel vm1, $0x0, v2;
	p1 =	slt.u32 s18, $0x30  }
.Ltmp3:
0x36: {  	s15 =	smov.u32 s16;
	v1 =	vmin.u32 v2, $0xFFF;
	(pc) =	sbr.rel @p1 .LBB2_3-.Ltmp3, $3  }
0x37: {  	_ =	sdelay $0x1  }
0x38: {  	s17 =	sadd.s32 $0x10, s17  }
0x39: {  	vm1 =	vgt.s32 v0, $0x0;
	s16 =	sadd.s32 $0x10, s16;
	v2 =	vmov v0;
	(ifvalue) =	ssetifvalue $0x7FFFFFFF;
	v0 =	vld.msk [tilespmem:s17+$0x0 ss:$0x1], $0xffff  }
.Ltmp4:
0x3a: {  	_ = 	snop;
	(pc) =	sbr.rel .LBB2_4-.Ltmp4, $1  }
0x3b: {  	_ =	sdelay $0x3  }
.LBB2_6:
0x3c: {  	_ =	sfence.sel $0x180000  }
0x3d: {  	s2 =	simm.s32 $0x2;
	[bflag:$0x0] =	sbarrier.arrive $0xFFFF  }
0x3e: {  	s30 =	simm.s32 $0x3;
	[sflag:s2] =	ssyncpa.u1 $0x1  }
0x3f: {  	s31 =	simm.s32 $0x1;
	[sflag:s30] =	ssyncpa.u1 $0x1  }
0x40: {  	[sflag:s31] =	ssyncpa.u1 $0x1  }
0x41: {  	p0 =	sne.s32 s1, $0x0;
	_ =	strace $0x9000004A  }
0x42: {  	s0 =	sadd.s32 @!p0 $0x100000, s0;
	[bflag:$0x2] =	sbarrier.arrive $0xFFFF  }
0x43: {  	[sflag:s0] =	ssyncadd.tile.s32 @!p0 $0x1;
	_ =	shalt  }
.Lfunc_end2:
_tile_overlayer_lowered:
.L_overlay_start_2:
0x44: {  	(tag) =	ssettag $0x2  }
0x45: {  	s0 =	rddreg [dreg:$0x0];
	s2 =	stileid.u32  }
0x46: {  	s1 =	rddreg [dreg:$0x1];
	p0 =	sne.s32 s2, $0x0  }
0x47: {  	s3 =	rddreg [dreg:$0x2];
	[bflag:$0x3] =	sbarrier.arrive $0xFFFF;
	s2 =	simm.s32 @!p0 $0x1C01  }
0x48: {  	[timem:s3], [sflag:s2] =	dma.local @!p0 [hbm:s0], s1  }
0x49: {  	s0 =	simm.s32 @!p0 $0x1  }
0x4a: {  	_ =	swait.ge @!p0 [sflag:s0], s1  }
0x4b: {  	s1 =	ssub.s32 @!p0 $0x0, s1;
	[sflag:s0] =	ssyncset.done @!p0 $0x0  }
0x4c: {  	[sflag:s0] =	ssyncadd.s32 @!p0 s1  }
0x4d: {  	[bflag:$0x3] =	sbarrier.arrive $0xFFFF  }
0x4e: {  	_ =	shalt  }

// kernel: gather_offload_async_start.2
scs
__scs_entry_jumppad:
0x0: {  	(pc) =	sbr.rel $0x88, $3  }
0x1: {  	(tag) =	ssettag $0x0;
	lr =	simm.s32 $0x1  }
0x2: {  	[smem:$0x3F9D] =	sst lr;
	_ =	strace $0xD0000000  }
0x3: {  	_ = 	snop  }
0x4: {  	_ = 	snop  }
0x5: {  	_ = 	snop  }
0x6: {  	_ = 	snop  }
0x7: {  	_ = 	snop  }
__scs_overlays_trampoline_lowered:
0x8: {  	[smem:$0x3FAC] =	sst s0  }
0x9: {  	[smem:$0x3FAD] =	sst s1  }
0xa: {  	[smem:$0x3FAE] =	sst s2  }
0xb: {  	[smem:$0x3FAF] =	sst s3  }
0xc: {  	[smem:$0x3FB0] =	sst s4  }
0xd: {  	[smem:$0x3FB1] =	sst s5  }
0xe: {  	[smem:$0x3FB2] =	sst s6  }
0xf: {  	[smem:$0x3FB3] =	sst s7  }
0x10: {  	[smem:$0x3FB4] =	sst s8  }
0x11: {  	[smem:$0x3FB5] =	sst s9;
	s0 =	simm.s32 @!p0 $0x0  }
0x12: {  	s1 =	sld [smem:$0x3F9B];
	s0 =	simm.s32 @p0 $0x1  }
0x13: {  	[smem:$0x3FB6] =	sst s0;
	s0 =	simm.s32 @!p1 $0x0  }
0x14: {  	s2 =	sld [smem:$0x3F9A];
	s0 =	simm.s32 @p1 $0x1  }
0x15: {  	[smem:$0x3FB7] =	sst s0;
	s0 =	simm.s32 @!p2 $0x0  }
0x16: {  	s3 =	sld [smem:$0x3FDB];
	s0 =	simm.s32 @p2 $0x1  }
0x17: {  	s4 =	simm.s32 $0x1BF5;
	[smem:$0x3FB9] =	sst s0  }
0x18: {  	s0 =	sld [smem:$0x3F9C];
	_ =	swait.ge [sflag:s4], $0x0  }
0x19: {  	s7 =	sld [smem:$0x3F9D]  }
0x1a: {  	s8 =	sadd.s32 $0xFFFFE003, lr  }
0x1b: {  	s9 =	sadd.s32 $0xFFFFFEF7, lr;
	s5 =	simm.s32 $0xFFFFFFFF;
	p2 =	slt.u32 s8, $0xFFFFF086  }
0x1c: {  	p1 =	slt.u32 s9, $0xF7A;
	s5 =	simm.s32 @!p2 $0x0  }
0x1d: {  	s5 =	simm.s32 @p1 $0x1;
	p0 =	seq.s32 s7, s2  }
0x1e: {  	s7 =	smul.u32 @!p0 $0xF7A, s2;
	p2 =	seq.s32 @!p0 s5, $0x0  }
0x1f: {  	s9 =	smul.u32 $0xF7A, s1;
	s8 =	simm.s32 @!p0 $0x1BF5;
	p2 =	por !p2, p0  }
0x20: {  	[sflag:s8] =	ssyncset.s32 @!p0 $0xFFFFF086;
	s6 =	sadd.s32 @!p0 s3, s7;
	s7 =	simm.s32 @!p0 $0x108  }
0x21: {  	s3 =	sadd.s32 s3, s9;
	s6 =	sadd.s32 @!p0 $0x88, s6;
	s7 =	simm.s32 @p2 $0x1082  }
0x22: {  	[simem:s7], [sflag:s8] =	dma.local @!p0 [hbm:s6], $0xF7A  }
0x23: {  	s9 =	sor.u32 $0xD0000000, s2;
	s6 =	simm.s32 $0x108;
	_ =	swait.ge @!p0 [sflag:s8], $0x0  }
0x24: {  	s3 =	sadd.s32 $0x88, s3;
	s6 =	simm.s32 @!p1 $0x1082;
	[sflag:s4] =	ssyncset.s32 $0xFFFFF086  }
0x25: {  	[simem:s6], [sflag:s4] =	dma.local [hbm:s3], $0xF7A  }
0x26: {  	[smem:$0x3F9D] =	sst s1;
	(tag) =	ssettag s2;
	_ =	strace s9  }
0x27: {  	s1 =	sld [smem:$0x3FAD]  }
0x28: {  	s2 =	sld [smem:$0x3FAE]  }
0x29: {  	s4 =	sld [smem:$0x3FB0]  }
0x2a: {  	p0 =	seq.s32 s5, $0x0;
	s5 =	sld [smem:$0x3FB1]  }
0x2b: {  	s6 =	sld [smem:$0x3FB2]  }
0x2c: {  	s7 =	sld [smem:$0x3FB3]  }
0x2d: {  	s3 =	simm.s32 $0x108;
	s8 =	sld [smem:$0x3FB4]  }
0x2e: {  	s3 =	simm.s32 @!p0 $0x1082;
	s9 =	sld [smem:$0x3FB5]  }
0x2f: {  	lr =	sadd.s32 s0, s3;
	s0 =	sld [smem:$0x3FAC]  }
0x30: {  	s3 =	sld [smem:$0x3FAF]  }
0x31: {  	[smem:$0x3FB8] =	sst s10  }
0x32: {  	s10 =	sld [smem:$0x3FB6];
	_ =	sdelay $0x3  }
0x33: {  	p0 =	seq.s32 s10, $0x1;
	s10 =	sld [smem:$0x3FB8];
	_ =	sdelay $0x3  }
0x34: {  	[smem:$0x3FB8] =	sst s10  }
0x35: {  	s10 =	sld [smem:$0x3FB7];
	_ =	sdelay $0x3  }
0x36: {  	p1 =	seq.s32 s10, $0x1;
	s10 =	sld [smem:$0x3FB8];
	_ =	sdelay $0x3  }
0x37: {  	[smem:$0x3FB8] =	sst s10  }
0x38: {  	s10 =	sld [smem:$0x3FB9]  }
0x39: {  	_ = 	snop;
	(pc) =	sbr.ind lr, $3  }
0x3a: {  	_ = 	snop  }
0x3b: {  	_ = 	snop  }
0x3c: {  	p2 =	seq.s32 s10, $0x1;
	s10 =	sld [smem:$0x3FB8]  }
0x3d: {  	_ =	shalt  }
0x3e: {  	_ =	shalt  }
0x3f: {  	_ =	shalt  }
0x40: {  	_ =	shalt  }
0x41: {  	_ =	shalt  }
0x42: {  	_ =	shalt  }
0x43: {  	_ =	shalt  }
0x44: {  	_ =	shalt  }
0x45: {  	_ =	shalt  }
0x46: {  	_ =	shalt  }
0x47: {  	_ =	shalt  }
0x48: {  	_ =	shalt  }
0x49: {  	_ =	shalt  }
0x4a: {  	_ =	shalt  }
0x4b: {  	_ =	shalt  }
0x4c: {  	_ =	shalt  }
0x4d: {  	_ =	shalt  }
0x4e: {  	_ =	shalt  }
0x4f: {  	_ =	shalt  }
0x50: {  	_ =	shalt  }
0x51: {  	_ =	shalt  }
0x52: {  	_ =	shalt  }
0x53: {  	_ =	shalt  }
0x54: {  	_ =	shalt  }
0x55: {  	_ =	shalt  }
0x56: {  	_ =	shalt  }
0x57: {  	_ =	shalt  }
0x58: {  	_ =	shalt  }
0x59: {  	_ =	shalt  }
0x5a: {  	_ =	shalt  }
0x5b: {  	_ =	shalt  }
0x5c: {  	_ =	shalt  }
0x5d: {  	_ =	shalt  }
0x5e: {  	_ =	shalt  }
0x5f: {  	_ =	shalt  }
0x60: {  	_ =	shalt  }
0x61: {  	_ =	shalt  }
0x62: {  	_ =	shalt  }
0x63: {  	_ =	shalt  }
0x64: {  	_ =	shalt  }
0x65: {  	_ =	shalt  }
0x66: {  	_ =	shalt  }
0x67: {  	_ =	shalt  }
0x68: {  	_ =	shalt  }
0x69: {  	_ =	shalt  }
0x6a: {  	_ =	shalt  }
0x6b: {  	_ =	shalt  }
0x6c: {  	_ =	shalt  }
0x6d: {  	_ =	shalt  }
0x6e: {  	_ =	shalt  }
0x6f: {  	_ =	shalt  }
0x70: {  	_ =	shalt  }
0x71: {  	_ =	shalt  }
0x72: {  	_ =	shalt  }
0x73: {  	_ =	shalt  }
0x74: {  	_ =	shalt  }
0x75: {  	_ =	shalt  }
0x76: {  	_ =	shalt  }
0x77: {  	_ =	shalt  }
0x78: {  	_ =	shalt  }
0x79: {  	_ =	shalt  }
0x7a: {  	_ =	shalt  }
0x7b: {  	_ =	shalt  }
0x7c: {  	_ =	shalt  }
0x7d: {  	_ =	shalt  }
0x7e: {  	_ =	shalt  }
0x7f: {  	_ =	shalt  }
0x80: {  	_ =	shalt  }
0x81: {  	_ =	shalt  }
0x82: {  	_ =	shalt  }
0x83: {  	_ =	shalt  }
0x84: {  	_ =	shalt  }
0x85: {  	_ =	shalt  }
0x86: {  	_ =	shalt  }
0x87: {  	_ =	shalt  }
.Lfunc_end0:
.L_simem_size_0:
called_computation.2_lowered:
.L_overlay_start_0:
0x88: {  	s2 =	sld [smem:$0x3FD9]  }
0x89: {  	s3 =	sld [smem:$0x3FFE];
	_ =	sdelay $0x1  }
0x8a: {  	s1 =	srdreg.scid  }
0x8b: {  	s0 =	sand.u32 $0x1, s1  }
0x8c: {  	s17 =	sshll.u32 s0, $0xA;
	s2 =	sadd.s32 s3, s2  }
0x8d: {  	s2 =	sadd.s32 s2, s17  }
0x8e: {  	[smem:$0x3FC4] =	sst s2  }
0x8f: {  	_ = 	snop  }
0x90: {  	(tm) =	ssettm $0x1  }
0x91: {  	s18 =	sld [smem:$0x3FFB];
	_ =	sdelay $0x3  }
0x92: {  	_ =	strace s18  }
0x93: {  	s2 =	sld [smem:$0x3FFC];
	_ =	sdelay $0x3  }
0x94: {  	_ =	strace s2  }
0x95: {  	s2 =	sld [smem:$0x3FFD];
	_ =	sdelay $0x3  }
0x96: {  	_ =	strace s2  }
0x97: {  	_ =	strace $0x8FFFFFFF  }
0x98: {  	s19 =	sld [smem:$0x3FDB];
	_ =	sdelay $0x1  }
0x99: {  	s20 =	simm.s32 $_scs_section_size  }
0x9a: {  	s4 =	simm.s32 $_size__tile_overlayer_lowered;
	s5 =	simm.s32 $_tile_overlayer_lowered  }
0x9b: {  	s6 =	simm.s32 $0x1BFF;
	s21 =	sshll.u32 s5, $0x1;
	s3 =	sadd.s32 s20, s19  }
0x9c: {  	s22 =	simm.s32 $0x0;
	s4 =	sshll.u32 s4, $0x1;
	s5 =	sadd.s32 s21, s3  }
0x9d: {  	[timem:s22], [sflag:s6] =	dma.local [hbm:s5], s4  }
0x9e: {  	_ =	swait.ge [sflag:s6], s4  }
0x9f: {  	s4 =	ssub.s32 $0x0, s4;
	[sflag:s6] =	ssyncset.done $0x0  }
0xa0: {  	[sflag:s6] =	ssyncadd.s32 s4;
	_ =	sdelay $0x1  }
0xa1: {  	s23 =	simm.s32 $0x1B8B  }
0xa2: {  	_ =	swait.ge [sflag:s23], $0x1  }
0xa3: {  	[sflag:s23] =	ssyncset.done $0x0  }
0xa4: {  	[sflag:s23] =	ssyncadd.s32 $0xFFFFFFFF  }
0xa5: {  	s4 =	sld [smem:$0x0]  }
0xa6: {  	s5 =	sand.u32 $0xFFFFFFFE, s1  }
0xa7: {  	p0 =	sne.s32 s1, s5  }
0xa8: {  	s5 =	sshll.u32 @p0 s5, $0xE  }
0xa9: {  	s5 =	sadd.s32 @p0 $0x11B8D, s5;
	s6 =	sshll.u32 @p0 s4, $0x11  }
0xaa: {  	s5 =	sor.u32 @p0 s6, s5  }
0xab: {  	[sflag:s5] =	ssyncadd.remote.s32 @p0 $0x1;
	_ =	sdelay $0x1  }
0xac: {  	s5 =	simm.s32 @p0 $0x1B8D  }
0xad: {  	_ =	swait.eq @p0 [sflag:s5], $0x1  }
0xae: {  	[sflag:s5] =	ssyncadd.s32 @p0 $0xFFFFFFFF  }
0xaf: {  	s6 =	sshll.u32 @!p0 s1, $0xE  }
0xb0: {  	s6 =	sor.u32 @!p0 $0x4000, s6;
	s5 =	simm.s32 @!p0 $0x1B8D  }
0xb1: {  	s4 =	sshll.u32 @!p0 s4, $0x11;
	s6 =	sadd.s32 @!p0 $0x11B8D, s6;
	_ =	swait.eq @!p0 [sflag:s5], $0x1  }
0xb2: {  	s4 =	sor.u32 @!p0 s4, s6;
	[sflag:s5] =	ssyncadd.s32 @!p0 $0xFFFFFFFF  }
0xb3: {  	s25 =	simm.s32 $0x1B8E;
	s24 =	sld [smem:$0x3FFE];
	[sflag:s4] =	ssyncadd.remote.s32 @!p0 $0x1  }
0xb4: {  	s26 =	simm.s32 $execute0_lowered;
	[smem:$0x3FD2] =	sst s25  }
0xb5: {  	s5 =	sshll.u32 s26, $0x1;
	_ =	strace $0x8000004C;
	[dreg:$0x1] =	wrdreg $0xFFFFFFFF  }
0xb6: {  	s28 =	simm.s32 $_size_execute0_lowered;
	s3 =	sadd.s32 s3, s5;
	[dreg:$0x0] =	wrdreg $0x0  }
0xb7: {  	s5 =	sshll.u32 s28, $0x1;
	[dreg:$0x2] =	wrdreg s3  }
0xb8: {  	[dreg:$0x3] =	wrdreg s5  }
0xb9: {  	[dreg:$0x4] =	wrdreg $0xC0  }
0xba: {  	_ =	task [dreg:s22], $0x5FFFF  }
0xbb: {  	[dreg:$0x1] =	wrdreg $0xFFFFFFFF  }
0xbc: {  	[dreg:$0x0] =	wrdreg $0x60  }
0xbd: {  	[dreg:$0x2] =	wrdreg s24  }
0xbe: {  	[dreg:$0x3] =	wrdreg $0x9  }
0xbf: {  	_ =	task.clear_ibuf [dreg:s22], $0x4FFFF;
	_ =	strace $0x9000004C  }
0xc0: {  	s29 =	simm.s32 $0x9;
	_ =	strace $0x8000004E  }
0xc1: {  	_ =	swait.ge [sflag:s29], $0x1  }
0xc2: {  	[sflag:s29] =	ssyncadd.s32 $0xFFFFFFFF  }
0xc3: {  	_ =	strace $0x9000004E  }
0xc4: {  	_ =	sfence  }
0xc5: {  	s30 =	sld [smem:$0x0];
	_ =	sdelay $0x2  }
0xc6: {  	s31 =	sshll.u32 s1, $0xD;
	s1 =	sshrl.u32 s1, $0x2  }
0xc7: {  	s4 =	sand.u32 $0x4000, s31;
	s1 =	sadd.s32 s1, s30  }
0xc8: {  	s0 =	sor.u32 s4, s0;
	s1 =	sshll.u32 s1, $0x11  }
0xc9: {  	s0 =	sor.u32 s1, s0  }
0xca: {  	s0 =	sadd.s32 $0x8F2B, s0  }
0xcb: {  	[sflag:s0] =	ssyncadd.remote.s32 $0x1  }
0xcc: {  	_ =	sfence.sel $0xFFFF  }
0xcd: {  	[dreg:$0x0] =	wrdreg $0xFFFFFFFF;
	(pc) =	sbr.abs _section_cstart, $3  }
0xce: {  	[dreg:$0x1] =	wrdreg $0xFFFFFFFF  }
0xcf: {  	_ =	task.clear_ibuf [dreg:s22], $0x2FFFF;
	_ =	strace $0x9FFFFFFF  }
0xd0: {  	(tm) =	ssettm $0x7FFFFFFF  }
0xd1: {  	_ =	shalt  }
tec
execute0_lowered:
.L_overlay_start_1:
0x0: {  	(tag) =	ssettag $0x1  }
0x1: {  	s1 =	srdreg.scid  }
0x2: {  	s0 =	stileid.u32;
	s2 =	rddreg [dreg:$0x0];
	s6 =	simm.s32 $0x1  }
0x3: {  	s9 =	simm.s32 $0x1;
	s10 =	simm.s32 $0x3;
	s1 =	sshll.u32 s1, $0x6  }
0x4: {  	s13 =	simm.s32 $0x0;
	s3 =	sshll.u32 s0, $0x7;
	s4 =	sand.u32 $0x40, s1  }
0x5: {  	s12 =	simm.s32 $0x0;
	s5 =	sadd.s32 $0x400, s2;
	s3 =	sor.u32 s3, s4  }
0x6: {  	s1 =	rddreg [dreg:$0x1];
	_ =	strace $0x8000004D;
	s8 =	ssub.s32 $0x1000, s3  }
.Ltmp0:
0x7: {  	s4 =	sadd.s32 $0x1000, s2;
	s7 =	sand.u32 $0x7C0, s8;
	(pc) =	sbr.rel .LBB2_1-.Ltmp0, $4  }
0x8: {  	[sflag:s6] =	ssyncpa.u1 $0x0;
	s11 =	smov.u32 s3;
	p0 =	sne.s32 s7, $0x0  }
0x9: {  	s8 =	sshrl.u32 s8, $0xB;
	s7 =	simm.s32 $0x2;
	s9 =	simm.s32 @!p0 $0x0  }
0xa: {  	[sflag:s7] =	ssyncpa.u1 $0x0;
	p0 =	por $0x0, $0x0;
	s8 =	sadd.s32 s9, s8  }
0xb: {  	vm0 =	vmmov $0xffff;
	[sflag:s10] =	ssyncpa.u1 $0x0;
	s10 =	simm.s32 $0x0;
	s9 =	sadd.s32 $0x1, s8  }
.LBB2_4:
0xc: {  	v2 =	vnsel vm1, $0x0, v2  }
0xd: {  	vm1 =	vgt.s32 v0, $0x0;
	v2 =	vmin.u32 v2, $0xFFF  }
0xe: {  	v0 =	vnsel vm1, $0x0, v0  }
0xf: {  	v0 =	vmin.u32 v0, $0xFFF  }
0x10: {  	[tilespmem:s15], [sflag:$0x1] =	stream.indirect_vreg.gather [hbm4b:s2+s10], $0x1, v1, vm0, $0x4038;
	[tilespmem:$0x100] =	vst v63  }
0x11: {  	(ifvalue) =	ssetifvalue $0x7FFFFFFF  }
0x12: {  	[tilespmem:s16], [sflag:$0x1] =	stream.indirect_vreg.gather [hbm4b:s2+s10], $0x1, v2, vm0, $0x4038;
	[tilespmem:$0x100] =	vst v63  }
0x13: {  	s29 =	sadd.s32 $0x10, s16;
	(ifvalue) =	ssetifvalue $0x7FFFFFFF  }
0x14: {  	[tilespmem:s29], [sflag:$0x1] =	stream.indirect_vreg.gather [hbm4b:s2+s10], $0x1, v0, vm0, $0x4038;
	[tilespmem:$0x100] =	vst v63  }
0x15: {  	_ =	swait.ge [sflag:s6], $0x40  }
0x16: {  	s30 =	sshrl.u32 s13, $0x3;
	[sflag:s6] =	ssyncset.done $0x0  }
0x17: {  	s31 =	sand.u32 $0x7, s13;
	s15 =	sadd.s32 s5, s30;
	[sflag:s6] =	ssyncadd.s32 $0xFFFFFFC0  }
0x18: {  	[hbm4b:s15+s31] =	stream.linear.scatter [tilespmem:s14], [sflag:$0x3], $0x40, $0x38;
	[tilespmem:$0x100] =	vst v63  }
.LBB2_5:
0x19: {  	s15 =	sadd.s32 $0x800, s11  }
0x1a: {  	p2 =	sgt.s32 s15, $0xFFF  }
0x1b: {  	s15 =	smov.u32 @p2 s3;
	p2 =	sne.s32 s12, s9  }
.Ltmp1:
0x1c: {  	p1 =	slt.u32 s12, $0x2;
	(pc) =	sbr.rel @!p2 .LBB2_6-.Ltmp1, $4  }
0x1d: {  	s14 =	simm.s32 @!p1 $0x3  }
0x1e: {  	s16 =	sadd.s32 $0x1, s12;
	_ =	swait.ge @!p1 [sflag:s14], $0x40  }
0x1f: {  	s13 =	smov.u32 s11;
	p0 =	por !p0, !p0;
	[sflag:s14] =	ssyncset.done @!p1 $0x0  }
0x20: {  	s12 =	smov.u32 s16;
	s11 =	smov.u32 s15;
	[sflag:s14] =	ssyncadd.s32 @!p1 $0xFFFFFFC0  }
.LBB2_1:
0x21: {  	p1 =	sge.u32 s12, s8  }
0x22: {  	s14 =	sxor.u32 @!p1 $0xFFFFFFFF, s12  }
0x23: {  	s31 =	sadd.s32 $0xFFFFFFFF, s12;
	s15 =	sshrl.u32 @!p1 s11, $0x3;
	s14 =	sshll.u32 @!p1 s14, $0x6  }
0x24: {  	s16 =	sand.u32 @!p1 $0x7, s11;
	s15 =	sadd.s32 @!p1 s4, s15;
	s14 =	sand.u32 @!p1 $0x40, s14  }
0x25: {  	[tilespmem:s14], [sflag:$0x2] =	stream.linear.gather @!p1 [hbm4b:s15+s16], $0x40, $0x38;
	[tilespmem:$0x100] =	vst v63  }
0x26: {  	p1 =	sge.u32 s31, s8  }
.Ltmp2:
0x27: {  	_ = 	snop;
	(pc) =	sbr.rel @p1 .LBB2_5-.Ltmp2, $1  }
0x28: {  	_ =	sdelay $0x3  }
0x29: {  	s14 =	simm.s32 $0x1  }
0x2a: {  	_ =	swait.ge [sflag:s7], $0x40;
	s14 =	simm.s32 @!p0 $0x0  }
0x2b: {  	[sflag:s7] =	ssyncset.done $0x0;
	s14 =	sshll.u32 s14, $0x6  }
0x2c: {  	[sflag:s7] =	ssyncadd.s32 $0xFFFFFFC0;
	(ifvalue) =	ssetifvalue $0x7FFFFFFF;
	v0 =	vld.msk [tilespmem:s14+$0x0 ss:$0x1], $0xffff;
	_ =	sdelay $0x4  }
0x2d: {  	s15 =	sadd.s32 $0x10, s14;
	vm1 =	vgt.s32 v0, $0x0  }
0x2e: {  	v2 =	vld.msk [tilespmem:s15+$0x0 ss:$0x1], $0xffff;
	v1 =	vnsel vm1, $0x0, v0  }
0x2f: {  	v1 =	vmin.u32 v1, $0xFFF;
	_ =	sdelay $0x1  }
0x30: {  	s16 =	sshll.u32 s12, $0x6;
	s18 =	simm.s32 $0x20  }
0x31: {  	s16 =	sand.u32 $0x40, s16;
	s17 =	sadd.s32 $0x10, s15;
	s15 =	sor.u32 $0x80, s14  }
0x32: {  	s14 =	sor.u32 $0x80, s16;
	s16 =	sadd.s32 $0x10, s15;
	v0 =	vld.msk [tilespmem:s17+$0x0 ss:$0x1], $0xffff;
	vm1 =	vgt.s32 v2, $0x0;
	(ifvalue) =	ssetifvalue $0x7FFFFFFF  }
.LBB2_3:
0x33: {  	[tilespmem:s15], [sflag:$0x1] =	stream.indirect_vreg.gather [hbm4b:s2+s10], $0x1, v1, vm0, $0x4038;
	[tilespmem:$0x100] =	vst v63  }
0x34: {  	s18 =	sadd.s32 $0x10, s18  }
0x35: {  	v2 =	vnsel vm1, $0x0, v2;
	p1 =	slt.u32 s18, $0x30  }
.Ltmp3:
0x36: {  	s15 =	smov.u32 s16;
	v1 =	vmin.u32 v2, $0xFFF;
	(pc) =	sbr.rel @p1 .LBB2_3-.Ltmp3, $3  }
0x37: {  	_ =	sdelay $0x1  }
0x38: {  	s17 =	sadd.s32 $0x10, s17  }
0x39: {  	vm1 =	vgt.s32 v0, $0x0;
	s16 =	sadd.s32 $0x10, s16;
	v2 =	vmov v0;
	(ifvalue) =	ssetifvalue $0x7FFFFFFF;
	v0 =	vld.msk [tilespmem:s17+$0x0 ss:$0x1], $0xffff  }
.Ltmp4:
0x3a: {  	_ = 	snop;
	(pc) =	sbr.rel .LBB2_4-.Ltmp4, $1  }
0x3b: {  	_ =	sdelay $0x3  }
.LBB2_6:
0x3c: {  	_ =	sfence.sel $0x180000  }
0x3d: {  	s2 =	simm.s32 $0x2;
	[bflag:$0x0] =	sbarrier.arrive $0xFFFF  }
0x3e: {  	s30 =	simm.s32 $0x3;
	[sflag:s2] =	ssyncpa.u1 $0x1  }
0x3f: {  	s31 =	simm.s32 $0x1;
	[sflag:s30] =	ssyncpa.u1 $0x1  }
0x40: {  	[sflag:s31] =	ssyncpa.u1 $0x1  }
0x41: {  	p0 =	sne.s32 s0, $0x0;
	_ =	strace $0x9000004D  }
0x42: {  	s0 =	sadd.s32 @!p0 $0x100000, s1;
	[bflag:$0x2] =	sbarrier.arrive $0xFFFF  }
0x43: {  	[sflag:s0] =	ssyncadd.tile.s32 @!p0 $0x1;
	_ =	shalt  }
.Lfunc_end2:
_tile_overlayer_lowered:
.L_overlay_start_2:
0x44: {  	(tag) =	ssettag $0x2  }
0x45: {  	s0 =	rddreg [dreg:$0x0];
	s2 =	stileid.u32  }
0x46: {  	s1 =	rddreg [dreg:$0x1];
	p0 =	sne.s32 s2, $0x0  }
0x47: {  	s3 =	rddreg [dreg:$0x2];
	[bflag:$0x3] =	sbarrier.arrive $0xFFFF;
	s2 =	simm.s32 @!p0 $0x1C01  }
0x48: {  	[timem:s3], [sflag:s2] =	dma.local @!p0 [hbm:s0], s1  }
0x49: {  	s0 =	simm.s32 @!p0 $0x1  }
0x4a: {  	_ =	swait.ge @!p0 [sflag:s0], s1  }
0x4b: {  	s1 =	ssub.s32 @!p0 $0x0, s1;
	[sflag:s0] =	ssyncset.done @!p0 $0x0  }
0x4c: {  	[sflag:s0] =	ssyncadd.s32 @!p0 s1  }
0x4d: {  	[bflag:$0x3] =	sbarrier.arrive $0xFFFF  }
0x4e: {  	_ =	shalt  }

// kernel: gather_offload_async_start
scs
__scs_entry_jumppad:
0x0: {  	(pc) =	sbr.rel $0x88, $3  }
0x1: {  	(tag) =	ssettag $0x0;
	lr =	simm.s32 $0x1  }
0x2: {  	[smem:$0x3F9D] =	sst lr;
	_ =	strace $0xD0000000  }
0x3: {  	_ = 	snop  }
0x4: {  	_ = 	snop  }
0x5: {  	_ = 	snop  }
0x6: {  	_ = 	snop  }
0x7: {  	_ = 	snop  }
__scs_overlays_trampoline_lowered:
0x8: {  	[smem:$0x3FAC] =	sst s0  }
0x9: {  	[smem:$0x3FAD] =	sst s1  }
0xa: {  	[smem:$0x3FAE] =	sst s2  }
0xb: {  	[smem:$0x3FAF] =	sst s3  }
0xc: {  	[smem:$0x3FB0] =	sst s4  }
0xd: {  	[smem:$0x3FB1] =	sst s5  }
0xe: {  	[smem:$0x3FB2] =	sst s6  }
0xf: {  	[smem:$0x3FB3] =	sst s7  }
0x10: {  	[smem:$0x3FB4] =	sst s8  }
0x11: {  	[smem:$0x3FB5] =	sst s9;
	s0 =	simm.s32 @!p0 $0x0  }
0x12: {  	s1 =	sld [smem:$0x3F9B];
	s0 =	simm.s32 @p0 $0x1  }
0x13: {  	[smem:$0x3FB6] =	sst s0;
	s0 =	simm.s32 @!p1 $0x0  }
0x14: {  	s2 =	sld [smem:$0x3F9A];
	s0 =	simm.s32 @p1 $0x1  }
0x15: {  	[smem:$0x3FB7] =	sst s0;
	s0 =	simm.s32 @!p2 $0x0  }
0x16: {  	s3 =	sld [smem:$0x3FDB];
	s0 =	simm.s32 @p2 $0x1  }
0x17: {  	s4 =	simm.s32 $0x1BF5;
	[smem:$0x3FB9] =	sst s0  }
0x18: {  	s0 =	sld [smem:$0x3F9C];
	_ =	swait.ge [sflag:s4], $0x0  }
0x19: {  	s7 =	sld [smem:$0x3F9D]  }
0x1a: {  	s8 =	sadd.s32 $0xFFFFE003, lr  }
0x1b: {  	s9 =	sadd.s32 $0xFFFFFEF7, lr;
	s5 =	simm.s32 $0xFFFFFFFF;
	p2 =	slt.u32 s8, $0xFFFFF086  }
0x1c: {  	p1 =	slt.u32 s9, $0xF7A;
	s5 =	simm.s32 @!p2 $0x0  }
0x1d: {  	s5 =	simm.s32 @p1 $0x1;
	p0 =	seq.s32 s7, s2  }
0x1e: {  	s7 =	smul.u32 @!p0 $0xF7A, s2;
	p2 =	seq.s32 @!p0 s5, $0x0  }
0x1f: {  	s9 =	smul.u32 $0xF7A, s1;
	s8 =	simm.s32 @!p0 $0x1BF5;
	p2 =	por !p2, p0  }
0x20: {  	[sflag:s8] =	ssyncset.s32 @!p0 $0xFFFFF086;
	s6 =	sadd.s32 @!p0 s3, s7;
	s7 =	simm.s32 @!p0 $0x108  }
0x21: {  	s3 =	sadd.s32 s3, s9;
	s6 =	sadd.s32 @!p0 $0x88, s6;
	s7 =	simm.s32 @p2 $0x1082  }
0x22: {  	[simem:s7], [sflag:s8] =	dma.local @!p0 [hbm:s6], $0xF7A  }
0x23: {  	s9 =	sor.u32 $0xD0000000, s2;
	s6 =	simm.s32 $0x108;
	_ =	swait.ge @!p0 [sflag:s8], $0x0  }
0x24: {  	s3 =	sadd.s32 $0x88, s3;
	s6 =	simm.s32 @!p1 $0x1082;
	[sflag:s4] =	ssyncset.s32 $0xFFFFF086  }
0x25: {  	[simem:s6], [sflag:s4] =	dma.local [hbm:s3], $0xF7A  }
0x26: {  	[smem:$0x3F9D] =	sst s1;
	(tag) =	ssettag s2;
	_ =	strace s9  }
0x27: {  	s1 =	sld [smem:$0x3FAD]  }
0x28: {  	s2 =	sld [smem:$0x3FAE]  }
0x29: {  	s4 =	sld [smem:$0x3FB0]  }
0x2a: {  	p0 =	seq.s32 s5, $0x0;
	s5 =	sld [smem:$0x3FB1]  }
0x2b: {  	s6 =	sld [smem:$0x3FB2]  }
0x2c: {  	s7 =	sld [smem:$0x3FB3]  }
0x2d: {  	s3 =	simm.s32 $0x108;
	s8 =	sld [smem:$0x3FB4]  }
0x2e: {  	s3 =	simm.s32 @!p0 $0x1082;
	s9 =	sld [smem:$0x3FB5]  }
0x2f: {  	lr =	sadd.s32 s0, s3;
	s0 =	sld [smem:$0x3FAC]  }
0x30: {  	s3 =	sld [smem:$0x3FAF]  }
0x31: {  	[smem:$0x3FB8] =	sst s10  }
0x32: {  	s10 =	sld [smem:$0x3FB6];
	_ =	sdelay $0x3  }
0x33: {  	p0 =	seq.s32 s10, $0x1;
	s10 =	sld [smem:$0x3FB8];
	_ =	sdelay $0x3  }
0x34: {  	[smem:$0x3FB8] =	sst s10  }
0x35: {  	s10 =	sld [smem:$0x3FB7];
	_ =	sdelay $0x3  }
0x36: {  	p1 =	seq.s32 s10, $0x1;
	s10 =	sld [smem:$0x3FB8];
	_ =	sdelay $0x3  }
0x37: {  	[smem:$0x3FB8] =	sst s10  }
0x38: {  	s10 =	sld [smem:$0x3FB9]  }
0x39: {  	_ = 	snop;
	(pc) =	sbr.ind lr, $3  }
0x3a: {  	_ = 	snop  }
0x3b: {  	_ = 	snop  }
0x3c: {  	p2 =	seq.s32 s10, $0x1;
	s10 =	sld [smem:$0x3FB8]  }
0x3d: {  	_ =	shalt  }
0x3e: {  	_ =	shalt  }
0x3f: {  	_ =	shalt  }
0x40: {  	_ =	shalt  }
0x41: {  	_ =	shalt  }
0x42: {  	_ =	shalt  }
0x43: {  	_ =	shalt  }
0x44: {  	_ =	shalt  }
0x45: {  	_ =	shalt  }
0x46: {  	_ =	shalt  }
0x47: {  	_ =	shalt  }
0x48: {  	_ =	shalt  }
0x49: {  	_ =	shalt  }
0x4a: {  	_ =	shalt  }
0x4b: {  	_ =	shalt  }
0x4c: {  	_ =	shalt  }
0x4d: {  	_ =	shalt  }
0x4e: {  	_ =	shalt  }
0x4f: {  	_ =	shalt  }
0x50: {  	_ =	shalt  }
0x51: {  	_ =	shalt  }
0x52: {  	_ =	shalt  }
0x53: {  	_ =	shalt  }
0x54: {  	_ =	shalt  }
0x55: {  	_ =	shalt  }
0x56: {  	_ =	shalt  }
0x57: {  	_ =	shalt  }
0x58: {  	_ =	shalt  }
0x59: {  	_ =	shalt  }
0x5a: {  	_ =	shalt  }
0x5b: {  	_ =	shalt  }
0x5c: {  	_ =	shalt  }
0x5d: {  	_ =	shalt  }
0x5e: {  	_ =	shalt  }
0x5f: {  	_ =	shalt  }
0x60: {  	_ =	shalt  }
0x61: {  	_ =	shalt  }
0x62: {  	_ =	shalt  }
0x63: {  	_ =	shalt  }
0x64: {  	_ =	shalt  }
0x65: {  	_ =	shalt  }
0x66: {  	_ =	shalt  }
0x67: {  	_ =	shalt  }
0x68: {  	_ =	shalt  }
0x69: {  	_ =	shalt  }
0x6a: {  	_ =	shalt  }
0x6b: {  	_ =	shalt  }
0x6c: {  	_ =	shalt  }
0x6d: {  	_ =	shalt  }
0x6e: {  	_ =	shalt  }
0x6f: {  	_ =	shalt  }
0x70: {  	_ =	shalt  }
0x71: {  	_ =	shalt  }
0x72: {  	_ =	shalt  }
0x73: {  	_ =	shalt  }
0x74: {  	_ =	shalt  }
0x75: {  	_ =	shalt  }
0x76: {  	_ =	shalt  }
0x77: {  	_ =	shalt  }
0x78: {  	_ =	shalt  }
0x79: {  	_ =	shalt  }
0x7a: {  	_ =	shalt  }
0x7b: {  	_ =	shalt  }
0x7c: {  	_ =	shalt  }
0x7d: {  	_ =	shalt  }
0x7e: {  	_ =	shalt  }
0x7f: {  	_ =	shalt  }
0x80: {  	_ =	shalt  }
0x81: {  	_ =	shalt  }
0x82: {  	_ =	shalt  }
0x83: {  	_ =	shalt  }
0x84: {  	_ =	shalt  }
0x85: {  	_ =	shalt  }
0x86: {  	_ =	shalt  }
0x87: {  	_ =	shalt  }
.Lfunc_end0:
.L_simem_size_0:
called_computation_lowered:
.L_overlay_start_0:
0x88: {  	s2 =	sld [smem:$0x3FD9]  }
0x89: {  	s3 =	sld [smem:$0x3FFE];
	_ =	sdelay $0x1  }
0x8a: {  	s1 =	srdreg.scid  }
0x8b: {  	s0 =	sand.u32 $0x1, s1  }
0x8c: {  	s17 =	sshll.u32 s0, $0xA;
	s2 =	sadd.s32 s3, s2  }
0x8d: {  	s2 =	sadd.s32 s2, s17  }
0x8e: {  	[smem:$0x3FC4] =	sst s2  }
0x8f: {  	_ = 	snop  }
0x90: {  	s2 =	sld [smem:$0x3FD0];
	(tm) =	ssettm $0x1  }
0x91: {  	s18 =	sld [smem:$0x3FFB];
	_ =	sdelay $0x3  }
0x92: {  	_ =	strace s18  }
0x93: {  	s3 =	sld [smem:$0x3FFC];
	_ =	sdelay $0x3  }
0x94: {  	_ =	strace s3  }
0x95: {  	s3 =	sld [smem:$0x3FFD];
	_ =	sdelay $0x3  }
0x96: {  	_ =	strace s3  }
0x97: {  	_ =	strace $0x8FFFFFFF  }
0x98: {  	s19 =	sld [smem:$0x3FDB];
	_ =	sdelay $0x1  }
0x99: {  	s4 =	simm.s32 $_scs_section_size  }
0x9a: {  	s5 =	simm.s32 $_size__tile_overlayer_lowered;
	s6 =	simm.s32 $_tile_overlayer_lowered  }
0x9b: {  	s22 =	simm.s32 $0x1BFF;
	s21 =	sshll.u32 s6, $0x1;
	s3 =	sadd.s32 s4, s19  }
0x9c: {  	s7 =	simm.s32 $0x0;
	s20 =	sshll.u32 s5, $0x1;
	s5 =	sadd.s32 s21, s3  }
0x9d: {  	[timem:s7], [sflag:s22] =	dma.local [hbm:s5], s20  }
0x9e: {  	_ =	swait.ge [sflag:s22], s20  }
0x9f: {  	s4 =	ssub.s32 $0x0, s20;
	[sflag:s22] =	ssyncset.done $0x0  }
0xa0: {  	[sflag:s22] =	ssyncadd.s32 s4;
	_ =	sdelay $0x1  }
0xa1: {  	s23 =	simm.s32 $0x1B8B  }
0xa2: {  	_ =	swait.ge [sflag:s23], $0x1  }
0xa3: {  	[sflag:s23] =	ssyncset.done $0x0  }
0xa4: {  	s25 =	simm.s32 $0x1B8E;
	s24 =	sld [smem:$0x3FFE];
	[sflag:s23] =	ssyncadd.s32 $0xFFFFFFFF  }
0xa5: {  	s26 =	simm.s32 $execute0_lowered;
	[smem:$0x3FD2] =	sst s25  }
0xa6: {  	s5 =	sshll.u32 s26, $0x1;
	_ =	strace $0x80000046;
	[dreg:$0x1] =	wrdreg $0xFFFFFFFF  }
0xa7: {  	s28 =	simm.s32 $_size_execute0_lowered;
	s3 =	sadd.s32 s3, s5;
	[dreg:$0x0] =	wrdreg $0x0  }
0xa8: {  	s5 =	sshll.u32 s28, $0x1;
	[dreg:$0x2] =	wrdreg s3  }
0xa9: {  	[dreg:$0x3] =	wrdreg s5  }
0xaa: {  	[dreg:$0x4] =	wrdreg $0xC0  }
0xab: {  	_ =	task [dreg:s7], $0x5FFFF  }
0xac: {  	[dreg:$0x1] =	wrdreg $0xFFFFFFFF  }
0xad: {  	[dreg:$0x0] =	wrdreg $0x60  }
0xae: {  	[dreg:$0x2] =	wrdreg s2  }
0xaf: {  	[dreg:$0x3] =	wrdreg s24  }
0xb0: {  	[dreg:$0x4] =	wrdreg $0x9  }
0xb1: {  	_ =	task.clear_ibuf [dreg:s7], $0x5FFFF;
	_ =	strace $0x90000046  }
0xb2: {  	s29 =	simm.s32 $0x9;
	_ =	strace $0x80000048  }
0xb3: {  	_ =	swait.ge [sflag:s29], $0x1  }
0xb4: {  	[sflag:s29] =	ssyncadd.s32 $0xFFFFFFFF  }
0xb5: {  	_ =	strace $0x90000048  }
0xb6: {  	_ =	sfence  }
0xb7: {  	s30 =	sld [smem:$0x0];
	_ =	sdelay $0x2  }
0xb8: {  	s31 =	sshll.u32 s1, $0xD;
	s1 =	sshrl.u32 s1, $0x2  }
0xb9: {  	s3 =	sand.u32 $0x4000, s31;
	s1 =	sadd.s32 s1, s30  }
0xba: {  	s0 =	sor.u32 s3, s0;
	s1 =	sshll.u32 s1, $0x11  }
0xbb: {  	s0 =	sor.u32 s1, s0  }
0xbc: {  	s0 =	sadd.s32 $0x8F2B, s0  }
0xbd: {  	[sflag:s0] =	ssyncadd.remote.s32 $0x1  }
0xbe: {  	_ =	sfence.sel $0xFFFF  }
0xbf: {  	[dreg:$0x0] =	wrdreg $0xFFFFFFFF;
	(pc) =	sbr.abs _section_cstart, $3  }
0xc0: {  	[dreg:$0x1] =	wrdreg $0xFFFFFFFF  }
0xc1: {  	_ =	task.clear_ibuf [dreg:s7], $0x2FFFF;
	_ =	strace $0x9FFFFFFF  }
0xc2: {  	(tm) =	ssettm $0x7FFFFFFF  }
0xc3: {  	_ =	shalt  }
tec
execute0_lowered:
.L_overlay_start_1:
0x0: {  	(tag) =	ssettag $0x1  }
0x1: {  	s1 =	srdreg.scid;
	s2 =	rddreg [dreg:$0x0]  }
0x2: {  	s0 =	stileid.u32;
	s5 =	rddreg [dreg:$0x1];
	s6 =	simm.s32 $0x1  }
0x3: {  	s9 =	simm.s32 $0x1;
	s10 =	simm.s32 $0x3;
	s1 =	sshll.u32 s1, $0x6  }
0x4: {  	s13 =	simm.s32 $0x0;
	s3 =	sshll.u32 s0, $0x7;
	s4 =	sand.u32 $0x40, s1  }
0x5: {  	s12 =	simm.s32 $0x0;
	s1 =	rddreg [dreg:$0x2];
	s3 =	sor.u32 s3, s4  }
0x6: {  	_ =	strace $0x80000047;
	s4 =	sadd.s32 $0x1000, s5;
	s8 =	ssub.s32 $0x1000, s3  }
.Ltmp0:
0x7: {  	s5 =	sadd.s32 $0x1200, s5;
	s7 =	sand.u32 $0x7C0, s8;
	(pc) =	sbr.rel .LBB2_1-.Ltmp0, $4  }
0x8: {  	[sflag:s6] =	ssyncpa.u1 $0x0;
	s11 =	smov.u32 s3;
	p0 =	sne.s32 s7, $0x0  }
0x9: {  	s8 =	sshrl.u32 s8, $0xB;
	s7 =	simm.s32 $0x2;
	s9 =	simm.s32 @!p0 $0x0  }
0xa: {  	[sflag:s7] =	ssyncpa.u1 $0x0;
	p0 =	por $0x0, $0x0;
	s8 =	sadd.s32 s9, s8  }
0xb: {  	vm0 =	vmmov $0xffff;
	[sflag:s10] =	ssyncpa.u1 $0x0;
	s10 =	simm.s32 $0x0;
	s9 =	sadd.s32 $0x1, s8  }
.LBB2_4:
0xc: {  	v2 =	vnsel vm1, $0x0, v2  }
0xd: {  	vm1 =	vgt.s32 v0, $0x0;
	v2 =	vmin.u32 v2, $0xFFF  }
0xe: {  	v0 =	vnsel vm1, $0x0, v0  }
0xf: {  	v0 =	vmin.u32 v0, $0xFFF  }
0x10: {  	[tilespmem:s15], [sflag:$0x1] =	stream.indirect_vreg.gather [hbm4b:s2+s10], $0x1, v1, vm0, $0x4038;
	[tilespmem:$0x100] =	vst v63  }
0x11: {  	(ifvalue) =	ssetifvalue $0x7FFFFFFF  }
0x12: {  	[tilespmem:s16], [sflag:$0x1] =	stream.indirect_vreg.gather [hbm4b:s2+s10], $0x1, v2, vm0, $0x4038;
	[tilespmem:$0x100] =	vst v63  }
0x13: {  	s29 =	sadd.s32 $0x10, s16;
	(ifvalue) =	ssetifvalue $0x7FFFFFFF  }
0x14: {  	[tilespmem:s29], [sflag:$0x1] =	stream.indirect_vreg.gather [hbm4b:s2+s10], $0x1, v0, vm0, $0x4038;
	[tilespmem:$0x100] =	vst v63  }
0x15: {  	_ =	swait.ge [sflag:s6], $0x40  }
0x16: {  	s30 =	sshrl.u32 s13, $0x3;
	[sflag:s6] =	ssyncset.done $0x0  }
0x17: {  	s31 =	sand.u32 $0x7, s13;
	s15 =	sadd.s32 s5, s30;
	[sflag:s6] =	ssyncadd.s32 $0xFFFFFFC0  }
0x18: {  	[hbm4b:s15+s31] =	stream.linear.scatter [tilespmem:s14], [sflag:$0x3], $0x40, $0x38;
	[tilespmem:$0x100] =	vst v63  }
.LBB2_5:
0x19: {  	s15 =	sadd.s32 $0x800, s11  }
0x1a: {  	p2 =	sgt.s32 s15, $0xFFF  }
0x1b: {  	s15 =	smov.u32 @p2 s3;
	p2 =	sne.s32 s12, s9  }
.Ltmp1:
0x1c: {  	p1 =	slt.u32 s12, $0x2;
	(pc) =	sbr.rel @!p2 .LBB2_6-.Ltmp1, $4  }
0x1d: {  	s14 =	simm.s32 @!p1 $0x3  }
0x1e: {  	s16 =	sadd.s32 $0x1, s12;
	_ =	swait.ge @!p1 [sflag:s14], $0x40  }
0x1f: {  	s13 =	smov.u32 s11;
	p0 =	por !p0, !p0;
	[sflag:s14] =	ssyncset.done @!p1 $0x0  }
0x20: {  	s12 =	smov.u32 s16;
	s11 =	smov.u32 s15;
	[sflag:s14] =	ssyncadd.s32 @!p1 $0xFFFFFFC0  }
.LBB2_1:
0x21: {  	p1 =	sge.u32 s12, s8  }
0x22: {  	s14 =	sxor.u32 @!p1 $0xFFFFFFFF, s12  }
0x23: {  	s31 =	sadd.s32 $0xFFFFFFFF, s12;
	s15 =	sshrl.u32 @!p1 s11, $0x3;
	s14 =	sshll.u32 @!p1 s14, $0x6  }
0x24: {  	s16 =	sand.u32 @!p1 $0x7, s11;
	s15 =	sadd.s32 @!p1 s4, s15;
	s14 =	sand.u32 @!p1 $0x40, s14  }
0x25: {  	[tilespmem:s14], [sflag:$0x2] =	stream.linear.gather @!p1 [hbm4b:s15+s16], $0x40, $0x38;
	[tilespmem:$0x100] =	vst v63  }
0x26: {  	p1 =	sge.u32 s31, s8  }
.Ltmp2:
0x27: {  	_ = 	snop;
	(pc) =	sbr.rel @p1 .LBB2_5-.Ltmp2, $1  }
0x28: {  	_ =	sdelay $0x3  }
0x29: {  	s14 =	simm.s32 $0x1  }
0x2a: {  	_ =	swait.ge [sflag:s7], $0x40;
	s14 =	simm.s32 @!p0 $0x0  }
0x2b: {  	[sflag:s7] =	ssyncset.done $0x0;
	s14 =	sshll.u32 s14, $0x6  }
0x2c: {  	[sflag:s7] =	ssyncadd.s32 $0xFFFFFFC0;
	(ifvalue) =	ssetifvalue $0x7FFFFFFF;
	v0 =	vld.msk [tilespmem:s14+$0x0 ss:$0x1], $0xffff;
	_ =	sdelay $0x4  }
0x2d: {  	s15 =	sadd.s32 $0x10, s14;
	vm1 =	vgt.s32 v0, $0x0  }
0x2e: {  	v2 =	vld.msk [tilespmem:s15+$0x0 ss:$0x1], $0xffff;
	v1 =	vnsel vm1, $0x0, v0  }
0x2f: {  	v1 =	vmin.u32 v1, $0xFFF;
	_ =	sdelay $0x1  }
0x30: {  	s16 =	sshll.u32 s12, $0x6;
	s18 =	simm.s32 $0x20  }
0x31: {  	s16 =	sand.u32 $0x40, s16;
	s17 =	sadd.s32 $0x10, s15;
	s15 =	sor.u32 $0x80, s14  }
0x32: {  	s14 =	sor.u32 $0x80, s16;
	s16 =	sadd.s32 $0x10, s15;
	v0 =	vld.msk [tilespmem:s17+$0x0 ss:$0x1], $0xffff;
	vm1 =	vgt.s32 v2, $0x0;
	(ifvalue) =	ssetifvalue $0x7FFFFFFF  }
.LBB2_3:
0x33: {  	[tilespmem:s15], [sflag:$0x1] =	stream.indirect_vreg.gather [hbm4b:s2+s10], $0x1, v1, vm0, $0x4038;
	[tilespmem:$0x100] =	vst v63  }
0x34: {  	s18 =	sadd.s32 $0x10, s18  }
0x35: {  	v2 =	vnsel vm1, $0x0, v2;
	p1 =	slt.u32 s18, $0x30  }
.Ltmp3:
0x36: {  	s15 =	smov.u32 s16;
	v1 =	vmin.u32 v2, $0xFFF;
	(pc) =	sbr.rel @p1 .LBB2_3-.Ltmp3, $3  }
0x37: {  	_ =	sdelay $0x1  }
0x38: {  	s17 =	sadd.s32 $0x10, s17  }
0x39: {  	vm1 =	vgt.s32 v0, $0x0;
	s16 =	sadd.s32 $0x10, s16;
	v2 =	vmov v0;
	(ifvalue) =	ssetifvalue $0x7FFFFFFF;
	v0 =	vld.msk [tilespmem:s17+$0x0 ss:$0x1], $0xffff  }
.Ltmp4:
0x3a: {  	_ = 	snop;
	(pc) =	sbr.rel .LBB2_4-.Ltmp4, $1  }
0x3b: {  	_ =	sdelay $0x3  }
.LBB2_6:
0x3c: {  	_ =	sfence.sel $0x180000  }
0x3d: {  	s2 =	simm.s32 $0x2;
	[bflag:$0x0] =	sbarrier.arrive $0xFFFF  }
0x3e: {  	s30 =	simm.s32 $0x3;
	[sflag:s2] =	ssyncpa.u1 $0x1  }
0x3f: {  	s31 =	simm.s32 $0x1;
	[sflag:s30] =	ssyncpa.u1 $0x1  }
0x40: {  	[sflag:s31] =	ssyncpa.u1 $0x1  }
0x41: {  	p0 =	sne.s32 s0, $0x0;
	_ =	strace $0x90000047  }
0x42: {  	s0 =	sadd.s32 @!p0 $0x100000, s1;
	[bflag:$0x2] =	sbarrier.arrive $0xFFFF  }
0x43: {  	[sflag:s0] =	ssyncadd.tile.s32 @!p0 $0x1;
	_ =	shalt  }
.Lfunc_end2:
_tile_overlayer_lowered:
.L_overlay_start_2:
0x44: {  	(tag) =	ssettag $0x2  }
0x45: {  	s0 =	rddreg [dreg:$0x0];
	s2 =	stileid.u32  }
0x46: {  	s1 =	rddreg [dreg:$0x1];
	p0 =	sne.s32 s2, $0x0  }
0x47: {  	s3 =	rddreg [dreg:$0x2];
	[bflag:$0x3] =	sbarrier.arrive $0xFFFF;
	s2 =	simm.s32 @!p0 $0x1C01  }
0x48: {  	[timem:s3], [sflag:s2] =	dma.local @!p0 [hbm:s0], s1  }
0x49: {  	s0 =	simm.s32 @!p0 $0x1  }
0x4a: {  	_ =	swait.ge @!p0 [sflag:s0], s1  }
0x4b: {  	s1 =	ssub.s32 @!p0 $0x0, s1;
	[sflag:s0] =	ssyncset.done @!p0 $0x0  }
0x4c: {  	[sflag:s0] =	ssyncadd.s32 @!p0 s1  }
0x4d: {  	[bflag:$0x3] =	sbarrier.arrive $0xFFFF  }
0x4e: {  	_ =	shalt  }

// kernel: kernel.6.cloned.1.call-start
scs
__scs_entry_jumppad:
0x0: {  	(pc) =	sbr.rel $0x88, $3  }
0x1: {  	(tag) =	ssettag $0x0;
	lr =	simm.s32 $0x1  }
0x2: {  	[smem:$0x3F9D] =	sst lr;
	_ =	strace $0xD0000000  }
0x3: {  	_ = 	snop  }
0x4: {  	_ = 	snop  }
0x5: {  	_ = 	snop  }
0x6: {  	_ = 	snop  }
0x7: {  	_ = 	snop  }
__scs_overlays_trampoline_lowered:
0x8: {  	[smem:$0x3FAC] =	sst s0  }
0x9: {  	[smem:$0x3FAD] =	sst s1  }
0xa: {  	[smem:$0x3FAE] =	sst s2  }
0xb: {  	[smem:$0x3FAF] =	sst s3  }
0xc: {  	[smem:$0x3FB0] =	sst s4  }
0xd: {  	[smem:$0x3FB1] =	sst s5  }
0xe: {  	[smem:$0x3FB2] =	sst s6  }
0xf: {  	[smem:$0x3FB3] =	sst s7  }
0x10: {  	[smem:$0x3FB4] =	sst s8  }
0x11: {  	[smem:$0x3FB5] =	sst s9;
	s0 =	simm.s32 @!p0 $0x0  }
0x12: {  	s1 =	sld [smem:$0x3F9B];
	s0 =	simm.s32 @p0 $0x1  }
0x13: {  	[smem:$0x3FB6] =	sst s0;
	s0 =	simm.s32 @!p1 $0x0  }
0x14: {  	s2 =	sld [smem:$0x3F9A];
	s0 =	simm.s32 @p1 $0x1  }
0x15: {  	[smem:$0x3FB7] =	sst s0;
	s0 =	simm.s32 @!p2 $0x0  }
0x16: {  	s3 =	sld [smem:$0x3FDB];
	s0 =	simm.s32 @p2 $0x1  }
0x17: {  	s4 =	simm.s32 $0x1BF5;
	[smem:$0x3FB9] =	sst s0  }
0x18: {  	s0 =	sld [smem:$0x3F9C];
	_ =	swait.ge [sflag:s4], $0x0  }
0x19: {  	s7 =	sld [smem:$0x3F9D]  }
0x1a: {  	s8 =	sadd.s32 $0xFFFFE003, lr  }
0x1b: {  	s9 =	sadd.s32 $0xFFFFFEF7, lr;
	s5 =	simm.s32 $0xFFFFFFFF;
	p2 =	slt.u32 s8, $0xFFFFF086  }
0x1c: {  	p1 =	slt.u32 s9, $0xF7A;
	s5 =	simm.s32 @!p2 $0x0  }
0x1d: {  	s5 =	simm.s32 @p1 $0x1;
	p0 =	seq.s32 s7, s2  }
0x1e: {  	s7 =	smul.u32 @!p0 $0xF7A, s2;
	p2 =	seq.s32 @!p0 s5, $0x0  }
0x1f: {  	s9 =	smul.u32 $0xF7A, s1;
	s8 =	simm.s32 @!p0 $0x1BF5;
	p2 =	por !p2, p0  }
0x20: {  	[sflag:s8] =	ssyncset.s32 @!p0 $0xFFFFF086;
	s6 =	sadd.s32 @!p0 s3, s7;
	s7 =	simm.s32 @!p0 $0x108  }
0x21: {  	s3 =	sadd.s32 s3, s9;
	s6 =	sadd.s32 @!p0 $0x88, s6;
	s7 =	simm.s32 @p2 $0x1082  }
0x22: {  	[simem:s7], [sflag:s8] =	dma.local @!p0 [hbm:s6], $0xF7A  }
0x23: {  	s9 =	sor.u32 $0xD0000000, s2;
	s6 =	simm.s32 $0x108;
	_ =	swait.ge @!p0 [sflag:s8], $0x0  }
0x24: {  	s3 =	sadd.s32 $0x88, s3;
	s6 =	simm.s32 @!p1 $0x1082;
	[sflag:s4] =	ssyncset.s32 $0xFFFFF086  }
0x25: {  	[simem:s6], [sflag:s4] =	dma.local [hbm:s3], $0xF7A  }
0x26: {  	[smem:$0x3F9D] =	sst s1;
	(tag) =	ssettag s2;
	_ =	strace s9  }
0x27: {  	s1 =	sld [smem:$0x3FAD]  }
0x28: {  	s2 =	sld [smem:$0x3FAE]  }
0x29: {  	s4 =	sld [smem:$0x3FB0]  }
0x2a: {  	p0 =	seq.s32 s5, $0x0;
	s5 =	sld [smem:$0x3FB1]  }
0x2b: {  	s6 =	sld [smem:$0x3FB2]  }
0x2c: {  	s7 =	sld [smem:$0x3FB3]  }
0x2d: {  	s3 =	simm.s32 $0x108;
	s8 =	sld [smem:$0x3FB4]  }
0x2e: {  	s3 =	simm.s32 @!p0 $0x1082;
	s9 =	sld [smem:$0x3FB5]  }
0x2f: {  	lr =	sadd.s32 s0, s3;
	s0 =	sld [smem:$0x3FAC]  }
0x30: {  	s3 =	sld [smem:$0x3FAF]  }
0x31: {  	[smem:$0x3FB8] =	sst s10  }
0x32: {  	s10 =	sld [smem:$0x3FB6];
	_ =	sdelay $0x3  }
0x33: {  	p0 =	seq.s32 s10, $0x1;
	s10 =	sld [smem:$0x3FB8];
	_ =	sdelay $0x3  }
0x34: {  	[smem:$0x3FB8] =	sst s10  }
0x35: {  	s10 =	sld [smem:$0x3FB7];
	_ =	sdelay $0x3  }
0x36: {  	p1 =	seq.s32 s10, $0x1;
	s10 =	sld [smem:$0x3FB8];
	_ =	sdelay $0x3  }
0x37: {  	[smem:$0x3FB8] =	sst s10  }
0x38: {  	s10 =	sld [smem:$0x3FB9]  }
0x39: {  	_ = 	snop;
	(pc) =	sbr.ind lr, $3  }
0x3a: {  	_ = 	snop  }
0x3b: {  	_ = 	snop  }
0x3c: {  	p2 =	seq.s32 s10, $0x1;
	s10 =	sld [smem:$0x3FB8]  }
0x3d: {  	_ =	shalt  }
0x3e: {  	_ =	shalt  }
0x3f: {  	_ =	shalt  }
0x40: {  	_ =	shalt  }
0x41: {  	_ =	shalt  }
0x42: {  	_ =	shalt  }
0x43: {  	_ =	shalt  }
0x44: {  	_ =	shalt  }
0x45: {  	_ =	shalt  }
0x46: {  	_ =	shalt  }
0x47: {  	_ =	shalt  }
0x48: {  	_ =	shalt  }
0x49: {  	_ =	shalt  }
0x4a: {  	_ =	shalt  }
0x4b: {  	_ =	shalt  }
0x4c: {  	_ =	shalt  }
0x4d: {  	_ =	shalt  }
0x4e: {  	_ =	shalt  }
0x4f: {  	_ =	shalt  }
0x50: {  	_ =	shalt  }
0x51: {  	_ =	shalt  }
0x52: {  	_ =	shalt  }
0x53: {  	_ =	shalt  }
0x54: {  	_ =	shalt  }
0x55: {  	_ =	shalt  }
0x56: {  	_ =	shalt  }
0x57: {  	_ =	shalt  }
0x58: {  	_ =	shalt  }
0x59: {  	_ =	shalt  }
0x5a: {  	_ =	shalt  }
0x5b: {  	_ =	shalt  }
0x5c: {  	_ =	shalt  }
0x5d: {  	_ =	shalt  }
0x5e: {  	_ =	shalt  }
0x5f: {  	_ =	shalt  }
0x60: {  	_ =	shalt  }
0x61: {  	_ =	shalt  }
0x62: {  	_ =	shalt  }
0x63: {  	_ =	shalt  }
0x64: {  	_ =	shalt  }
0x65: {  	_ =	shalt  }
0x66: {  	_ =	shalt  }
0x67: {  	_ =	shalt  }
0x68: {  	_ =	shalt  }
0x69: {  	_ =	shalt  }
0x6a: {  	_ =	shalt  }
0x6b: {  	_ =	shalt  }
0x6c: {  	_ =	shalt  }
0x6d: {  	_ =	shalt  }
0x6e: {  	_ =	shalt  }
0x6f: {  	_ =	shalt  }
0x70: {  	_ =	shalt  }
0x71: {  	_ =	shalt  }
0x72: {  	_ =	shalt  }
0x73: {  	_ =	shalt  }
0x74: {  	_ =	shalt  }
0x75: {  	_ =	shalt  }
0x76: {  	_ =	shalt  }
0x77: {  	_ =	shalt  }
0x78: {  	_ =	shalt  }
0x79: {  	_ =	shalt  }
0x7a: {  	_ =	shalt  }
0x7b: {  	_ =	shalt  }
0x7c: {  	_ =	shalt  }
0x7d: {  	_ =	shalt  }
0x7e: {  	_ =	shalt  }
0x7f: {  	_ =	shalt  }
0x80: {  	_ =	shalt  }
0x81: {  	_ =	shalt  }
0x82: {  	_ =	shalt  }
0x83: {  	_ =	shalt  }
0x84: {  	_ =	shalt  }
0x85: {  	_ =	shalt  }
0x86: {  	_ =	shalt  }
0x87: {  	_ =	shalt  }
.Lfunc_end0:
.L_simem_size_0:
called_computation.3_lowered:
.L_overlay_start_0:
0x88: {  	s2 =	sld [smem:$0x3FD9]  }
0x89: {  	s3 =	sld [smem:$0x3FFE];
	_ =	sdelay $0x1  }
0x8a: {  	s1 =	srdreg.scid  }
0x8b: {  	s0 =	sand.u32 $0x1, s1  }
0x8c: {  	s17 =	sshll.u32 s0, $0xA;
	s2 =	sadd.s32 s3, s2  }
0x8d: {  	s2 =	sadd.s32 s2, s17  }
0x8e: {  	[smem:$0x3FC4] =	sst s2  }
0x8f: {  	_ = 	snop  }
0x90: {  	s18 =	sld [smem:$0x3FC9]  }
0x91: {  	s4 =	sld [smem:$0x3FD0];
	(tm) =	ssettm $0x1  }
0x92: {  	s19 =	sld [smem:$0x3FFB];
	_ =	sdelay $0x3  }
0x93: {  	_ =	strace s19  }
0x94: {  	s2 =	sld [smem:$0x3FFC];
	_ =	sdelay $0x3  }
0x95: {  	_ =	strace s2  }
0x96: {  	s2 =	sld [smem:$0x3FFD];
	_ =	sdelay $0x3  }
0x97: {  	_ =	strace s2  }
0x98: {  	_ =	strace $0x8FFFFFFF  }
0x99: {  	s20 =	sld [smem:$0x3FDB];
	_ =	sdelay $0x1  }
0x9a: {  	s5 =	simm.s32 $_scs_section_size  }
0x9b: {  	s6 =	simm.s32 $_size__tile_overlayer_lowered;
	s7 =	simm.s32 $_tile_overlayer_lowered  }
0x9c: {  	s8 =	simm.s32 $0x1BFF;
	s21 =	sshll.u32 s7, $0x1;
	s5 =	sadd.s32 s5, s20  }
0x9d: {  	s22 =	simm.s32 $0x0;
	s6 =	sshll.u32 s6, $0x1;
	s7 =	sadd.s32 s21, s5  }
0x9e: {  	[timem:s22], [sflag:s8] =	dma.local [hbm:s7], s6  }
0x9f: {  	_ =	swait.ge [sflag:s8], s6  }
0xa0: {  	s6 =	ssub.s32 $0x0, s6;
	[sflag:s8] =	ssyncset.done $0x0  }
0xa1: {  	[sflag:s8] =	ssyncadd.s32 s6;
	_ =	sdelay $0x1  }
0xa2: {  	s23 =	simm.s32 $0x1B8B  }
0xa3: {  	_ =	swait.ge [sflag:s23], $0x1  }
0xa4: {  	[sflag:s23] =	ssyncset.done $0x0  }
0xa5: {  	[sflag:s23] =	ssyncadd.s32 $0xFFFFFFFF  }
0xa6: {  	s6 =	sld [smem:$0x0]  }
0xa7: {  	s7 =	sand.u32 $0xFFFFFFFE, s1  }
0xa8: {  	p0 =	sne.s32 s1, s7  }
0xa9: {  	s7 =	sshll.u32 @p0 s7, $0xE  }
0xaa: {  	s7 =	sadd.s32 @p0 $0x11B8D, s7;
	s8 =	sshll.u32 @p0 s6, $0x11  }
0xab: {  	s7 =	sor.u32 @p0 s8, s7  }
0xac: {  	[sflag:s7] =	ssyncadd.remote.s32 @p0 $0x1;
	_ =	sdelay $0x1  }
0xad: {  	s7 =	simm.s32 @p0 $0x1B8D  }
0xae: {  	_ =	swait.eq @p0 [sflag:s7], $0x1  }
0xaf: {  	[sflag:s7] =	ssyncadd.s32 @p0 $0xFFFFFFFF  }
0xb0: {  	s8 =	sshll.u32 @!p0 s1, $0xE  }
0xb1: {  	s8 =	sor.u32 @!p0 $0x4000, s8;
	s7 =	simm.s32 @!p0 $0x1B8D  }
0xb2: {  	s6 =	sshll.u32 @!p0 s6, $0x11;
	s8 =	sadd.s32 @!p0 $0x11B8D, s8;
	_ =	swait.eq @!p0 [sflag:s7], $0x1  }
0xb3: {  	s6 =	sor.u32 @!p0 s6, s8;
	[sflag:s7] =	ssyncadd.s32 @!p0 $0xFFFFFFFF  }
0xb4: {  	s25 =	simm.s32 $0x1B8E;
	s24 =	sld [smem:$0x3FFE];
	[sflag:s6] =	ssyncadd.remote.s32 @!p0 $0x1  }
0xb5: {  	s26 =	simm.s32 $execute0_lowered;
	[smem:$0x3FD2] =	sst s25  }
0xb6: {  	s7 =	sshll.u32 s26, $0x1;
	_ =	strace $0x8000004F;
	[dreg:$0x1] =	wrdreg $0xFFFFFFFF  }
0xb7: {  	s28 =	simm.s32 $_size_execute0_lowered;
	s5 =	sadd.s32 s5, s7;
	[dreg:$0x0] =	wrdreg $0x0  }
0xb8: {  	s7 =	sshll.u32 s28, $0x1;
	[dreg:$0x2] =	wrdreg s5  }
0xb9: {  	[dreg:$0x3] =	wrdreg s7  }
0xba: {  	[dreg:$0x4] =	wrdreg $0xC0  }
0xbb: {  	_ =	task [dreg:s22], $0x5FFFF  }
0xbc: {  	[dreg:$0x1] =	wrdreg $0xFFFFFFFF  }
0xbd: {  	[dreg:$0x0] =	wrdreg $0x60  }
0xbe: {  	[dreg:$0x2] =	wrdreg s18  }
0xbf: {  	[dreg:$0x3] =	wrdreg s4  }
0xc0: {  	[dreg:$0x4] =	wrdreg s24  }
0xc1: {  	[dreg:$0x5] =	wrdreg $0xA  }
0xc2: {  	_ =	task.clear_ibuf [dreg:s22], $0x6FFFF;
	_ =	strace $0x9000004F  }
0xc3: {  	s29 =	simm.s32 $0xA;
	_ =	strace $0x80000051  }
0xc4: {  	_ =	swait.ge [sflag:s29], $0x1  }
0xc5: {  	[sflag:s29] =	ssyncadd.s32 $0xFFFFFFFF  }
0xc6: {  	_ =	strace $0x90000051  }
0xc7: {  	_ =	sfence  }
0xc8: {  	s30 =	sld [smem:$0x0];
	_ =	sdelay $0x2  }
0xc9: {  	s31 =	sshll.u32 s1, $0xD;
	s1 =	sshrl.u32 s1, $0x2  }
0xca: {  	s4 =	sand.u32 $0x4000, s31;
	s1 =	sadd.s32 s1, s30  }
0xcb: {  	s0 =	sor.u32 s4, s0;
	s1 =	sshll.u32 s1, $0x11  }
0xcc: {  	s0 =	sor.u32 s1, s0  }
0xcd: {  	s0 =	sadd.s32 $0x8F2B, s0  }
0xce: {  	[sflag:s0] =	ssyncadd.remote.s32 $0x1  }
0xcf: {  	_ =	sfence.sel $0xFFFF  }
0xd0: {  	[dreg:$0x0] =	wrdreg $0xFFFFFFFF;
	(pc) =	sbr.abs _section_cstart, $3  }
0xd1: {  	[dreg:$0x1] =	wrdreg $0xFFFFFFFF  }
0xd2: {  	_ =	task.clear_ibuf [dreg:s22], $0x2FFFF;
	_ =	strace $0x9FFFFFFF  }
0xd3: {  	(tm) =	ssettm $0x7FFFFFFF  }
tec
execute0_lowered:
.L_overlay_start_1:
0x0: {  	(tag) =	ssettag $0x1  }
0x1: {  	s1 =	rddreg [dreg:$0x0]  }
0x2: {  	s0 =	rddreg [dreg:$0x1]  }
0x3: {  	s2 =	rddreg [dreg:$0x2];
	s4 =	srdreg.scid  }
0x4: {  	s5 =	stileid.u32;
	s3 =	simm.s32 $0x0;
	s18 =	simm.s32 $0x1  }
0x5: {  	s20 =	simm.s32 $0x900;
	s21 =	simm.s32 $0x1100;
	s22 =	simm.s32 $0x1900  }
0x6: {  	s23 =	simm.s32 $0x2100;
	s24 =	simm.s32 $0x2900;
	s28 =	simm.s32 $0x4100  }
0x7: {  	s29 =	simm.s32 $0x4900;
	s30 =	simm.s32 $0x5100;
	s31 =	simm.s32 $0x5900  }
0x8: {  	s10 =	simm.s32 $0x7100;
	s11 =	simm.s32 $0x7900;
	s12 =	simm.s32 $0x8100  }
0x9: {  	s13 =	simm.s32 $0x8900;
	s14 =	simm.s32 $0x9100;
	s15 =	simm.s32 $0x9900  }
0xa: {  	s16 =	simm.s32 $0xA100;
	s4 =	sand.u32 $0x1, s4;
	s5 =	sshll.u32 s5, $0x1  }
0xb: {  	s17 =	simm.s32 $0xA900;
	s9 =	simm.s32 $0xB100;
	s5 =	sor.u32 s4, s5  }
0xc: {  	[smem:$0x7FF] =	sst s3;
	s4 =	ssub.s32 $0x2, s4;
	s6 =	smul.u32 $0x18, s5  }
0xd: {  	s2 =	sadd.s32 $0x1200, s2;
	s7 =	smul.u32 $0x30000, s5;
	s8 =	sshrl.u32 s4, $0x1  }
0xe: {  	_ =	strace $0x80000050;
	s5 =	smul.u32 $0x6000, s5;
	s8 =	ssub.s32 s4, s8  }
0xf: {  	s4 =	sadd.s32 $0x100, s1;
	s0 =	sadd.s32 s0, s6;
	s25 =	sshrl.u32 s7, $0x3  }
0x10: {  	s26 =	sadd.s32 s2, s5;
	s5 =	sadd.s32 $0x200, s1;
	s6 =	sadd.s32 $0x300, s1  }
0x11: {  	s7 =	smax.u32 s8, $0x1;
	[dreg:$0x4] =	wrdreg s0;
	s0 =	sadd.s32 s2, s25  }
0x12: {  	v2 =	vlaneseq.u32;
	s8 =	simm.s32 $0x2;
	[dreg:$0x5] =	wrdreg s26;
	s2 =	sadd.s32 $0x2000, s0  }
0x13: {  	vm0 =	vmmov $0xffff;
	v1 =	vshrl.u32 v2, $0x3;
	s25 =	simm.s32 $0x3100;
	s0 =	sadd.s32 $0x4000, s0;
	[dreg:$0x6] =	wrdreg s2  }
0x14: {  	v0 =	vand.u32 $0x7, v2;
	v2 =	vor.u32 $0x8, v2;
	v1 =	vmul.u32 $0x8, v1;
	s26 =	simm.s32 $0x3900;
	[dreg:$0x7] =	wrdreg s0;
	s0 =	simm.s32 $0x100  }
.LBB2_1:
0x15: {  	s19 =	rddreg [dreg:$0x4]  }
0x16: {  	[tilespmem:s3], [sflag:$0x2] =	stream.linear.gather [hbm4b:s19+s3], $0xC0, $0x38;
	[tilespmem:$0x10100] =	vst v63  }
0x17: {  	_ =	swait.ge [sflag:s8], $0xC0  }
0x18: {  	[sflag:s8] =	ssyncset.done $0x0  }
0x19: {  	[sflag:s8] =	ssyncadd.s32 $0xFFFFFF40  }
0x1a: {  	v3 =	vld [tilespmem:$0x0];
	_ =	sdelay $0x4  }
0x1b: {  	v4 =	vshll.u32 v3, $0x3  }
0x1c: {  	v3 =	vand.u32 $0x7, v3;
	v4 =	vand.u32 $0xFFFFFFC0, v4  }
0x1d: {  	v3 =	vor.u32 v3, v4  }
0x1e: {  	v4 =	vperm.xlane v3, v0;
	_ =	sdelay $0x1  }
0x1f: {  	v4 =	vadd.s32 v1, v4;
	_ =	sdelay $0x4  }
0x20: {  	[tilespmem:s0], [sflag:$0x1] =	stream.indirect_vreg.gather [hbm4b:s1+s3], $0x80, v4, vm0, $0xb8;
	[tilespmem:$0x10100] =	vst v63  }
0x21: {  	v3 =	vperm.xlane v3, v2  }
0x22: {  	[tilespmem:s20], [sflag:$0x1] =	stream.indirect_vreg.gather [hbm4b:s4+s3], $0x80, v4, vm0, $0xb8;
	[tilespmem:$0x10100] =	vst v63  }
0x23: {  	v3 =	vadd.s32 v1, v3  }
0x24: {  	[tilespmem:s21], [sflag:$0x1] =	stream.indirect_vreg.gather [hbm4b:s5+s3], $0x80, v4, vm0, $0xb8;
	[tilespmem:$0x10100] =	vst v63  }
0x25: {  	_ = 	snop  }
0x26: {  	[tilespmem:s22], [sflag:$0x1] =	stream.indirect_vreg.gather [hbm4b:s6+s3], $0x80, v4, vm0, $0xb8;
	[tilespmem:$0x10100] =	vst v63  }
0x27: {  	_ = 	snop  }
0x28: {  	[tilespmem:s23], [sflag:$0x1] =	stream.indirect_vreg.gather [hbm4b:s1+s3], $0x80, v3, vm0, $0xb8;
	[tilespmem:$0x10100] =	vst v63  }
0x29: {  	_ = 	snop  }
0x2a: {  	[tilespmem:s24], [sflag:$0x1] =	stream.indirect_vreg.gather [hbm4b:s4+s3], $0x80, v3, vm0, $0xb8;
	[tilespmem:$0x10100] =	vst v63  }
0x2b: {  	_ = 	snop  }
0x2c: {  	[tilespmem:s25], [sflag:$0x1] =	stream.indirect_vreg.gather [hbm4b:s5+s3], $0x80, v3, vm0, $0xb8;
	[tilespmem:$0x10100] =	vst v63  }
0x2d: {  	_ = 	snop  }
0x2e: {  	[tilespmem:s26], [sflag:$0x1] =	stream.indirect_vreg.gather [hbm4b:s6+s3], $0x80, v3, vm0, $0xb8;
	[tilespmem:$0x10100] =	vst v63  }
0x2f: {  	v3 =	vld [tilespmem:$0x10];
	_ =	sdelay $0x4  }
0x30: {  	v53 =	vshll.u32 v3, $0x3  }
0x31: {  	v3 =	vand.u32 $0x7, v3;
	v4 =	vand.u32 $0xFFFFFFC0, v53  }
0x32: {  	v3 =	vor.u32 v3, v4  }
0x33: {  	v4 =	vperm.xlane v3, v0;
	_ =	sdelay $0x1  }
0x34: {  	v4 =	vadd.s32 v1, v4;
	_ =	sdelay $0x4  }
0x35: {  	[tilespmem:s28], [sflag:$0x1] =	stream.indirect_vreg.gather [hbm4b:s1+s3], $0x80, v4, vm0, $0xb8;
	[tilespmem:$0x10100] =	vst v63  }
0x36: {  	v3 =	vperm.xlane v3, v2  }
0x37: {  	[tilespmem:s29], [sflag:$0x1] =	stream.indirect_vreg.gather [hbm4b:s4+s3], $0x80, v4, vm0, $0xb8;
	[tilespmem:$0x10100] =	vst v63  }
0x38: {  	v3 =	vadd.s32 v1, v3  }
0x39: {  	[tilespmem:s30], [sflag:$0x1] =	stream.indirect_vreg.gather [hbm4b:s5+s3], $0x80, v4, vm0, $0xb8;
	[tilespmem:$0x10100] =	vst v63  }
0x3a: {  	_ = 	snop  }
0x3b: {  	[tilespmem:s31], [sflag:$0x1] =	stream.indirect_vreg.gather [hbm4b:s6+s3], $0x80, v4, vm0, $0xb8;
	[tilespmem:$0x10100] =	vst v63  }
0x3c: {  	s2 =	simm.s32 $0x6100  }
0x3d: {  	[tilespmem:s2], [sflag:$0x1] =	stream.indirect_vreg.gather [hbm4b:s1+s3], $0x80, v3, vm0, $0xb8;
	[tilespmem:$0x10100] =	vst v63  }
0x3e: {  	s2 =	simm.s32 $0x6900  }
0x3f: {  	[tilespmem:s2], [sflag:$0x1] =	stream.indirect_vreg.gather [hbm4b:s4+s3], $0x80, v3, vm0, $0xb8;
	[tilespmem:$0x10100] =	vst v63  }
0x40: {  	_ = 	snop  }
0x41: {  	[tilespmem:s10], [sflag:$0x1] =	stream.indirect_vreg.gather [hbm4b:s5+s3], $0x80, v3, vm0, $0xb8;
	[tilespmem:$0x10100] =	vst v63  }
0x42: {  	_ = 	snop  }
0x43: {  	[tilespmem:s11], [sflag:$0x1] =	stream.indirect_vreg.gather [hbm4b:s6+s3], $0x80, v3, vm0, $0xb8;
	[tilespmem:$0x10100] =	vst v63  }
0x44: {  	v3 =	vld [tilespmem:$0x20];
	_ =	sdelay $0x4  }
0x45: {  	v54 =	vshll.u32 v3, $0x3  }
0x46: {  	v3 =	vand.u32 $0x7, v3;
	v4 =	vand.u32 $0xFFFFFFC0, v54  }
0x47: {  	v3 =	vor.u32 v3, v4  }
0x48: {  	v4 =	vperm.xlane v3, v0;
	_ =	sdelay $0x1  }
0x49: {  	v4 =	vadd.s32 v1, v4;
	_ =	sdelay $0x4  }
0x4a: {  	[tilespmem:s12], [sflag:$0x1] =	stream.indirect_vreg.gather [hbm4b:s1+s3], $0x80, v4, vm0, $0xb8;
	[tilespmem:$0x10100] =	vst v63  }
0x4b: {  	v3 =	vperm.xlane v3, v2  }
0x4c: {  	[tilespmem:s13], [sflag:$0x1] =	stream.indirect_vreg.gather [hbm4b:s4+s3], $0x80, v4, vm0, $0xb8;
	[tilespmem:$0x10100] =	vst v63  }
0x4d: {  	v3 =	vadd.s32 v1, v3  }
0x4e: {  	[tilespmem:s14], [sflag:$0x1] =	stream.indirect_vreg.gather [hbm4b:s5+s3], $0x80, v4, vm0, $0xb8;
	[tilespmem:$0x10100] =	vst v63  }
0x4f: {  	_ = 	snop  }
0x50: {  	[tilespmem:s15], [sflag:$0x1] =	stream.indirect_vreg.gather [hbm4b:s6+s3], $0x80, v4, vm0, $0xb8;
	[tilespmem:$0x10100] =	vst v63  }
0x51: {  	_ = 	snop  }
0x52: {  	[tilespmem:s16], [sflag:$0x1] =	stream.indirect_vreg.gather [hbm4b:s1+s3], $0x80, v3, vm0, $0xb8;
	[tilespmem:$0x10100] =	vst v63  }
0x53: {  	_ = 	snop  }
0x54: {  	[tilespmem:s17], [sflag:$0x1] =	stream.indirect_vreg.gather [hbm4b:s4+s3], $0x80, v3, vm0, $0xb8;
	[tilespmem:$0x10100] =	vst v63  }
0x55: {  	_ = 	snop  }
0x56: {  	[tilespmem:s9], [sflag:$0x1] =	stream.indirect_vreg.gather [hbm4b:s5+s3], $0x80, v3, vm0, $0xb8;
	[tilespmem:$0x10100] =	vst v63  }
0x57: {  	s19 =	simm.s32 $0xB900  }
0x58: {  	[tilespmem:s19], [sflag:$0x1] =	stream.indirect_vreg.gather [hbm4b:s6+s3], $0x80, v3, vm0, $0xb8;
	[tilespmem:$0x10100] =	vst v63  }
0x59: {  	v3 =	vld [tilespmem:$0x30];
	_ =	sdelay $0x4  }
0x5a: {  	v55 =	vshll.u32 v3, $0x3  }
0x5b: {  	v3 =	vand.u32 $0x7, v3;
	v4 =	vand.u32 $0xFFFFFFC0, v55  }
0x5c: {  	v3 =	vor.u32 v3, v4  }
0x5d: {  	v4 =	vperm.xlane v3, v0;
	_ =	sdelay $0x1  }
0x5e: {  	v4 =	vadd.s32 v1, v4;
	_ =	sdelay $0x3  }
0x5f: {  	s19 =	simm.s32 $0xC100  }
0x60: {  	[tilespmem:s19], [sflag:$0x1] =	stream.indirect_vreg.gather [hbm4b:s1+s3], $0x80, v4, vm0, $0xb8;
	[tilespmem:$0x10100] =	vst v63  }
0x61: {  	v3 =	vperm.xlane v3, v2;
	s19 =	simm.s32 $0xC900  }
0x62: {  	[tilespmem:s19], [sflag:$0x1] =	stream.indirect_vreg.gather [hbm4b:s4+s3], $0x80, v4, vm0, $0xb8;
	[tilespmem:$0x10100] =	vst v63  }
0x63: {  	v3 =	vadd.s32 v1, v3;
	s19 =	simm.s32 $0xD100  }
0x64: {  	[tilespmem:s19], [sflag:$0x1] =	stream.indirect_vreg.gather [hbm4b:s5+s3], $0x80, v4, vm0, $0xb8;
	[tilespmem:$0x10100] =	vst v63  }
0x65: {  	s19 =	simm.s32 $0xD900  }
0x66: {  	[tilespmem:s19], [sflag:$0x1] =	stream.indirect_vreg.gather [hbm4b:s6+s3], $0x80, v4, vm0, $0xb8;
	[tilespmem:$0x10100] =	vst v63  }
0x67: {  	s19 =	simm.s32 $0xE100  }
0x68: {  	[tilespmem:s19], [sflag:$0x1] =	stream.indirect_vreg.gather [hbm4b:s1+s3], $0x80, v3, vm0, $0xb8;
	[tilespmem:$0x10100] =	vst v63  }
0x69: {  	s19 =	simm.s32 $0xE900  }
0x6a: {  	[tilespmem:s19], [sflag:$0x1] =	stream.indirect_vreg.gather [hbm4b:s4+s3], $0x80, v3, vm0, $0xb8;
	[tilespmem:$0x10100] =	vst v63  }
0x6b: {  	s19 =	simm.s32 $0xF100  }
0x6c: {  	[tilespmem:s19], [sflag:$0x1] =	stream.indirect_vreg.gather [hbm4b:s5+s3], $0x80, v3, vm0, $0xb8;
	[tilespmem:$0x10100] =	vst v63  }
0x6d: {  	s19 =	simm.s32 $0xF900  }
0x6e: {  	[tilespmem:s19], [sflag:$0x1] =	stream.indirect_vreg.gather [hbm4b:s6+s3], $0x80, v3, vm0, $0xb8;
	[tilespmem:$0x10100] =	vst v63  }
0x6f: {  	_ =	swait.ge [sflag:s18], $0x10000  }
0x70: {  	[sflag:s18] =	ssyncset.done $0x0  }
0x71: {  	s19 =	rddreg [dreg:$0x5];
	[sflag:s18] =	ssyncadd.s32 $0xFFFF0000  }
0x72: {  	[hbm4b:s19+s3] =	stream.linear.scatter [tilespmem:s0], [sflag:$0x2], $0x10000, $0x38;
	[tilespmem:$0x10100] =	vst v63  }
0x73: {  	_ =	swait.ge [sflag:s8], $0x10000  }
0x74: {  	[sflag:s8] =	ssyncset.done $0x0  }
0x75: {  	[sflag:s8] =	ssyncadd.s32 $0xFFFF0000  }
0x76: {  	v3 =	vld [tilespmem:$0x40];
	_ =	sdelay $0x4  }
0x77: {  	v56 =	vshll.u32 v3, $0x3  }
0x78: {  	v3 =	vand.u32 $0x7, v3;
	v4 =	vand.u32 $0xFFFFFFC0, v56  }
0x79: {  	v3 =	vor.u32 v3, v4  }
0x7a: {  	v4 =	vperm.xlane v3, v0;
	_ =	sdelay $0x1  }
0x7b: {  	v4 =	vadd.s32 v1, v4;
	_ =	sdelay $0x4  }
0x7c: {  	[tilespmem:s0], [sflag:$0x1] =	stream.indirect_vreg.gather [hbm4b:s1+s3], $0x80, v4, vm0, $0xb8;
	[tilespmem:$0x10100] =	vst v63  }
0x7d: {  	v3 =	vperm.xlane v3, v2  }
0x7e: {  	[tilespmem:s20], [sflag:$0x1] =	stream.indirect_vreg.gather [hbm4b:s4+s3], $0x80, v4, vm0, $0xb8;
	[tilespmem:$0x10100] =	vst v63  }
0x7f: {  	v3 =	vadd.s32 v1, v3  }
0x80: {  	[tilespmem:s21], [sflag:$0x1] =	stream.indirect_vreg.gather [hbm4b:s5+s3], $0x80, v4, vm0, $0xb8;
	[tilespmem:$0x10100] =	vst v63  }
0x81: {  	_ = 	snop  }
0x82: {  	[tilespmem:s22], [sflag:$0x1] =	stream.indirect_vreg.gather [hbm4b:s6+s3], $0x80, v4, vm0, $0xb8;
	[tilespmem:$0x10100] =	vst v63  }
0x83: {  	_ = 	snop  }
0x84: {  	[tilespmem:s23], [sflag:$0x1] =	stream.indirect_vreg.gather [hbm4b:s1+s3], $0x80, v3, vm0, $0xb8;
	[tilespmem:$0x10100] =	vst v63  }
0x85: {  	_ = 	snop  }
0x86: {  	[tilespmem:s24], [sflag:$0x1] =	stream.indirect_vreg.gather [hbm4b:s4+s3], $0x80, v3, vm0, $0xb8;
	[tilespmem:$0x10100] =	vst v63  }
0x87: {  	_ = 	snop  }
0x88: {  	[tilespmem:s25], [sflag:$0x1] =	stream.indirect_vreg.gather [hbm4b:s5+s3], $0x80, v3, vm0, $0xb8;
	[tilespmem:$0x10100] =	vst v63  }
0x89: {  	_ = 	snop  }
0x8a: {  	[tilespmem:s26], [sflag:$0x1] =	stream.indirect_vreg.gather [hbm4b:s6+s3], $0x80, v3, vm0, $0xb8;
	[tilespmem:$0x10100] =	vst v63  }
0x8b: {  	v3 =	vld [tilespmem:$0x50];
	_ =	sdelay $0x4  }
0x8c: {  	v57 =	vshll.u32 v3, $0x3  }
0x8d: {  	v3 =	vand.u32 $0x7, v3;
	v4 =	vand.u32 $0xFFFFFFC0, v57  }
0x8e: {  	v3 =	vor.u32 v3, v4  }
0x8f: {  	v4 =	vperm.xlane v3, v0;
	_ =	sdelay $0x1  }
0x90: {  	v4 =	vadd.s32 v1, v4;
	_ =	sdelay $0x4  }
0x91: {  	[tilespmem:s28], [sflag:$0x1] =	stream.indirect_vreg.gather [hbm4b:s1+s3], $0x80, v4, vm0, $0xb8;
	[tilespmem:$0x10100] =	vst v63  }
0x92: {  	v3 =	vperm.xlane v3, v2  }
0x93: {  	[tilespmem:s29], [sflag:$0x1] =	stream.indirect_vreg.gather [hbm4b:s4+s3], $0x80, v4, vm0, $0xb8;
	[tilespmem:$0x10100] =	vst v63  }
0x94: {  	v3 =	vadd.s32 v1, v3  }
0x95: {  	[tilespmem:s30], [sflag:$0x1] =	stream.indirect_vreg.gather [hbm4b:s5+s3], $0x80, v4, vm0, $0xb8;
	[tilespmem:$0x10100] =	vst v63  }
0x96: {  	_ = 	snop  }
0x97: {  	[tilespmem:s31], [sflag:$0x1] =	stream.indirect_vreg.gather [hbm4b:s6+s3], $0x80, v4, vm0, $0xb8;
	[tilespmem:$0x10100] =	vst v63  }
0x98: {  	s19 =	simm.s32 $0x6100  }
0x99: {  	[tilespmem:s19], [sflag:$0x1] =	stream.indirect_vreg.gather [hbm4b:s1+s3], $0x80, v3, vm0, $0xb8;
	[tilespmem:$0x10100] =	vst v63  }
0x9a: {  	_ = 	snop  }
0x9b: {  	[tilespmem:s2], [sflag:$0x1] =	stream.indirect_vreg.gather [hbm4b:s4+s3], $0x80, v3, vm0, $0xb8;
	[tilespmem:$0x10100] =	vst v63  }
0x9c: {  	_ = 	snop  }
0x9d: {  	[tilespmem:s10], [sflag:$0x1] =	stream.indirect_vreg.gather [hbm4b:s5+s3], $0x80, v3, vm0, $0xb8;
	[tilespmem:$0x10100] =	vst v63  }
0x9e: {  	_ = 	snop  }
0x9f: {  	[tilespmem:s11], [sflag:$0x1] =	stream.indirect_vreg.gather [hbm4b:s6+s3], $0x80, v3, vm0, $0xb8;
	[tilespmem:$0x10100] =	vst v63  }
0xa0: {  	v3 =	vld [tilespmem:$0x60];
	_ =	sdelay $0x4  }
0xa1: {  	v58 =	vshll.u32 v3, $0x3  }
0xa2: {  	v3 =	vand.u32 $0x7, v3;
	v4 =	vand.u32 $0xFFFFFFC0, v58  }
0xa3: {  	v3 =	vor.u32 v3, v4  }
0xa4: {  	v4 =	vperm.xlane v3, v0;
	_ =	sdelay $0x1  }
0xa5: {  	v4 =	vadd.s32 v1, v4;
	_ =	sdelay $0x4  }
0xa6: {  	[tilespmem:s12], [sflag:$0x1] =	stream.indirect_vreg.gather [hbm4b:s1+s3], $0x80, v4, vm0, $0xb8;
	[tilespmem:$0x10100] =	vst v63  }
0xa7: {  	v3 =	vperm.xlane v3, v2  }
0xa8: {  	[tilespmem:s13], [sflag:$0x1] =	stream.indirect_vreg.gather [hbm4b:s4+s3], $0x80, v4, vm0, $0xb8;
	[tilespmem:$0x10100] =	vst v63  }
0xa9: {  	v3 =	vadd.s32 v1, v3  }
0xaa: {  	[tilespmem:s14], [sflag:$0x1] =	stream.indirect_vreg.gather [hbm4b:s5+s3], $0x80, v4, vm0, $0xb8;
	[tilespmem:$0x10100] =	vst v63  }
0xab: {  	_ = 	snop  }
0xac: {  	[tilespmem:s15], [sflag:$0x1] =	stream.indirect_vreg.gather [hbm4b:s6+s3], $0x80, v4, vm0, $0xb8;
	[tilespmem:$0x10100] =	vst v63  }
0xad: {  	_ = 	snop  }
0xae: {  	[tilespmem:s16], [sflag:$0x1] =	stream.indirect_vreg.gather [hbm4b:s1+s3], $0x80, v3, vm0, $0xb8;
	[tilespmem:$0x10100] =	vst v63  }
0xaf: {  	_ = 	snop  }
0xb0: {  	[tilespmem:s17], [sflag:$0x1] =	stream.indirect_vreg.gather [hbm4b:s4+s3], $0x80, v3, vm0, $0xb8;
	[tilespmem:$0x10100] =	vst v63  }
0xb1: {  	_ = 	snop  }
0xb2: {  	[tilespmem:s9], [sflag:$0x1] =	stream.indirect_vreg.gather [hbm4b:s5+s3], $0x80, v3, vm0, $0xb8;
	[tilespmem:$0x10100] =	vst v63  }
0xb3: {  	s19 =	simm.s32 $0xB900  }
0xb4: {  	[tilespmem:s19], [sflag:$0x1] =	stream.indirect_vreg.gather [hbm4b:s6+s3], $0x80, v3, vm0, $0xb8;
	[tilespmem:$0x10100] =	vst v63  }
0xb5: {  	v3 =	vld [tilespmem:$0x70];
	_ =	sdelay $0x4  }
0xb6: {  	v59 =	vshll.u32 v3, $0x3  }
0xb7: {  	v3 =	vand.u32 $0x7, v3;
	v4 =	vand.u32 $0xFFFFFFC0, v59  }
0xb8: {  	v3 =	vor.u32 v3, v4  }
0xb9: {  	v4 =	vperm.xlane v3, v0;
	_ =	sdelay $0x1  }
0xba: {  	v4 =	vadd.s32 v1, v4;
	_ =	sdelay $0x3  }
0xbb: {  	s19 =	simm.s32 $0xC100  }
0xbc: {  	[tilespmem:s19], [sflag:$0x1] =	stream.indirect_vreg.gather [hbm4b:s1+s3], $0x80, v4, vm0, $0xb8;
	[tilespmem:$0x10100] =	vst v63  }
0xbd: {  	v3 =	vperm.xlane v3, v2;
	s19 =	simm.s32 $0xC900  }
0xbe: {  	[tilespmem:s19], [sflag:$0x1] =	stream.indirect_vreg.gather [hbm4b:s4+s3], $0x80, v4, vm0, $0xb8;
	[tilespmem:$0x10100] =	vst v63  }
0xbf: {  	v3 =	vadd.s32 v1, v3;
	s19 =	simm.s32 $0xD100  }
0xc0: {  	[tilespmem:s19], [sflag:$0x1] =	stream.indirect_vreg.gather [hbm4b:s5+s3], $0x80, v4, vm0, $0xb8;
	[tilespmem:$0x10100] =	vst v63  }
0xc1: {  	s19 =	simm.s32 $0xD900  }
0xc2: {  	[tilespmem:s19], [sflag:$0x1] =	stream.indirect_vreg.gather [hbm4b:s6+s3], $0x80, v4, vm0, $0xb8;
	[tilespmem:$0x10100] =	vst v63  }
0xc3: {  	s19 =	simm.s32 $0xE100  }
0xc4: {  	[tilespmem:s19], [sflag:$0x1] =	stream.indirect_vreg.gather [hbm4b:s1+s3], $0x80, v3, vm0, $0xb8;
	[tilespmem:$0x10100] =	vst v63  }
0xc5: {  	s19 =	simm.s32 $0xE900  }
0xc6: {  	[tilespmem:s19], [sflag:$0x1] =	stream.indirect_vreg.gather [hbm4b:s4+s3], $0x80, v3, vm0, $0xb8;
	[tilespmem:$0x10100] =	vst v63  }
0xc7: {  	s19 =	simm.s32 $0xF100  }
0xc8: {  	[tilespmem:s19], [sflag:$0x1] =	stream.indirect_vreg.gather [hbm4b:s5+s3], $0x80, v3, vm0, $0xb8;
	[tilespmem:$0x10100] =	vst v63  }
0xc9: {  	s19 =	simm.s32 $0xF900  }
0xca: {  	[tilespmem:s19], [sflag:$0x1] =	stream.indirect_vreg.gather [hbm4b:s6+s3], $0x80, v3, vm0, $0xb8;
	[tilespmem:$0x10100] =	vst v63  }
0xcb: {  	_ =	swait.ge [sflag:s18], $0x10000  }
0xcc: {  	[sflag:s18] =	ssyncset.done $0x0  }
0xcd: {  	s19 =	rddreg [dreg:$0x6];
	[sflag:s18] =	ssyncadd.s32 $0xFFFF0000  }
0xce: {  	[hbm4b:s19+s3] =	stream.linear.scatter [tilespmem:s0], [sflag:$0x2], $0x10000, $0x38;
	[tilespmem:$0x10100] =	vst v63  }
0xcf: {  	_ =	swait.ge [sflag:s8], $0x10000  }
0xd0: {  	[sflag:s8] =	ssyncset.done $0x0  }
0xd1: {  	[sflag:s8] =	ssyncadd.s32 $0xFFFF0000  }
0xd2: {  	v3 =	vld [tilespmem:$0x80];
	_ =	sdelay $0x4  }
0xd3: {  	v60 =	vshll.u32 v3, $0x3  }
0xd4: {  	v3 =	vand.u32 $0x7, v3;
	v4 =	vand.u32 $0xFFFFFFC0, v60  }
0xd5: {  	v3 =	vor.u32 v3, v4  }
0xd6: {  	v4 =	vperm.xlane v3, v0;
	_ =	sdelay $0x1  }
0xd7: {  	v4 =	vadd.s32 v1, v4;
	_ =	sdelay $0x4  }
0xd8: {  	[tilespmem:s0], [sflag:$0x1] =	stream.indirect_vreg.gather [hbm4b:s1+s3], $0x80, v4, vm0, $0xb8;
	[tilespmem:$0x10100] =	vst v63  }
0xd9: {  	v3 =	vperm.xlane v3, v2  }
0xda: {  	[tilespmem:s20], [sflag:$0x1] =	stream.indirect_vreg.gather [hbm4b:s4+s3], $0x80, v4, vm0, $0xb8;
	[tilespmem:$0x10100] =	vst v63  }
0xdb: {  	v3 =	vadd.s32 v1, v3  }
0xdc: {  	[tilespmem:s21], [sflag:$0x1] =	stream.indirect_vreg.gather [hbm4b:s5+s3], $0x80, v4, vm0, $0xb8;
	[tilespmem:$0x10100] =	vst v63  }
0xdd: {  	_ = 	snop  }
0xde: {  	[tilespmem:s22], [sflag:$0x1] =	stream.indirect_vreg.gather [hbm4b:s6+s3], $0x80, v4, vm0, $0xb8;
	[tilespmem:$0x10100] =	vst v63  }
0xdf: {  	_ = 	snop  }
0xe0: {  	[tilespmem:s23], [sflag:$0x1] =	stream.indirect_vreg.gather [hbm4b:s1+s3], $0x80, v3, vm0, $0xb8;
	[tilespmem:$0x10100] =	vst v63  }
0xe1: {  	_ = 	snop  }
0xe2: {  	[tilespmem:s24], [sflag:$0x1] =	stream.indirect_vreg.gather [hbm4b:s4+s3], $0x80, v3, vm0, $0xb8;
	[tilespmem:$0x10100] =	vst v63  }
0xe3: {  	_ = 	snop  }
0xe4: {  	[tilespmem:s25], [sflag:$0x1] =	stream.indirect_vreg.gather [hbm4b:s5+s3], $0x80, v3, vm0, $0xb8;
	[tilespmem:$0x10100] =	vst v63  }
0xe5: {  	_ = 	snop  }
0xe6: {  	[tilespmem:s26], [sflag:$0x1] =	stream.indirect_vreg.gather [hbm4b:s6+s3], $0x80, v3, vm0, $0xb8;
	[tilespmem:$0x10100] =	vst v63  }
0xe7: {  	v3 =	vld [tilespmem:$0x90];
	_ =	sdelay $0x4  }
0xe8: {  	v61 =	vshll.u32 v3, $0x3  }
0xe9: {  	v3 =	vand.u32 $0x7, v3;
	v4 =	vand.u32 $0xFFFFFFC0, v61  }
0xea: {  	v3 =	vor.u32 v3, v4  }
0xeb: {  	v4 =	vperm.xlane v3, v0;
	_ =	sdelay $0x1  }
0xec: {  	v4 =	vadd.s32 v1, v4;
	_ =	sdelay $0x4  }
0xed: {  	[tilespmem:s28], [sflag:$0x1] =	stream.indirect_vreg.gather [hbm4b:s1+s3], $0x80, v4, vm0, $0xb8;
	[tilespmem:$0x10100] =	vst v63  }
0xee: {  	v3 =	vperm.xlane v3, v2  }
0xef: {  	[tilespmem:s29], [sflag:$0x1] =	stream.indirect_vreg.gather [hbm4b:s4+s3], $0x80, v4, vm0, $0xb8;
	[tilespmem:$0x10100] =	vst v63  }
0xf0: {  	v3 =	vadd.s32 v1, v3  }
0xf1: {  	[tilespmem:s30], [sflag:$0x1] =	stream.indirect_vreg.gather [hbm4b:s5+s3], $0x80, v4, vm0, $0xb8;
	[tilespmem:$0x10100] =	vst v63  }
0xf2: {  	_ = 	snop  }
0xf3: {  	[tilespmem:s31], [sflag:$0x1] =	stream.indirect_vreg.gather [hbm4b:s6+s3], $0x80, v4, vm0, $0xb8;
	[tilespmem:$0x10100] =	vst v63  }
0xf4: {  	s19 =	simm.s32 $0x6100  }
0xf5: {  	[tilespmem:s19], [sflag:$0x1] =	stream.indirect_vreg.gather [hbm4b:s1+s3], $0x80, v3, vm0, $0xb8;
	[tilespmem:$0x10100] =	vst v63  }
0xf6: {  	_ = 	snop  }
0xf7: {  	[tilespmem:s2], [sflag:$0x1] =	stream.indirect_vreg.gather [hbm4b:s4+s3], $0x80, v3, vm0, $0xb8;
	[tilespmem:$0x10100] =	vst v63  }
0xf8: {  	_ = 	snop  }
0xf9: {  	[tilespmem:s10], [sflag:$0x1] =	stream.indirect_vreg.gather [hbm4b:s5+s3], $0x80, v3, vm0, $0xb8;
	[tilespmem:$0x10100] =	vst v63  }
0xfa: {  	_ = 	snop  }
0xfb: {  	[tilespmem:s11], [sflag:$0x1] =	stream.indirect_vreg.gather [hbm4b:s6+s3], $0x80, v3, vm0, $0xb8;
	[tilespmem:$0x10100] =	vst v63  }
0xfc: {  	v3 =	vld [tilespmem:$0xA0];
	_ =	sdelay $0x4  }
0xfd: {  	v62 =	vshll.u32 v3, $0x3  }
0xfe: {  	v3 =	vand.u32 $0x7, v3;
	v4 =	vand.u32 $0xFFFFFFC0, v62  }
0xff: {  	v3 =	vor.u32 v3, v4  }
0x100: {  	v4 =	vperm.xlane v3, v0;
	_ =	sdelay $0x1  }
0x101: {  	v4 =	vadd.s32 v1, v4;
	_ =	sdelay $0x4  }
0x102: {  	[tilespmem:s12], [sflag:$0x1] =	stream.indirect_vreg.gather [hbm4b:s1+s3], $0x80, v4, vm0, $0xb8;
	[tilespmem:$0x10100] =	vst v63  }
0x103: {  	v3 =	vperm.xlane v3, v2  }
0x104: {  	[tilespmem:s13], [sflag:$0x1] =	stream.indirect_vreg.gather [hbm4b:s4+s3], $0x80, v4, vm0, $0xb8;
	[tilespmem:$0x10100] =	vst v63  }
0x105: {  	v3 =	vadd.s32 v1, v3  }
0x106: {  	[tilespmem:s14], [sflag:$0x1] =	stream.indirect_vreg.gather [hbm4b:s5+s3], $0x80, v4, vm0, $0xb8;
	[tilespmem:$0x10100] =	vst v63  }
0x107: {  	_ = 	snop  }
0x108: {  	[tilespmem:s15], [sflag:$0x1] =	stream.indirect_vreg.gather [hbm4b:s6+s3], $0x80, v4, vm0, $0xb8;
	[tilespmem:$0x10100] =	vst v63  }
0x109: {  	_ = 	snop  }
0x10a: {  	[tilespmem:s16], [sflag:$0x1] =	stream.indirect_vreg.gather [hbm4b:s1+s3], $0x80, v3, vm0, $0xb8;
	[tilespmem:$0x10100] =	vst v63  }
0x10b: {  	_ = 	snop  }
0x10c: {  	[tilespmem:s17], [sflag:$0x1] =	stream.indirect_vreg.gather [hbm4b:s4+s3], $0x80, v3, vm0, $0xb8;
	[tilespmem:$0x10100] =	vst v63  }
0x10d: {  	_ = 	snop  }
0x10e: {  	[tilespmem:s9], [sflag:$0x1] =	stream.indirect_vreg.gather [hbm4b:s5+s3], $0x80, v3, vm0, $0xb8;
	[tilespmem:$0x10100] =	vst v63  }
0x10f: {  	s19 =	simm.s32 $0xB900  }
0x110: {  	[tilespmem:s19], [sflag:$0x1] =	stream.indirect_vreg.gather [hbm4b:s6+s3], $0x80, v3, vm0, $0xb8;
	[tilespmem:$0x10100] =	vst v63  }
0x111: {  	v3 =	vld [tilespmem:$0xB0];
	_ =	sdelay $0x4  }
0x112: {  	v63 =	vshll.u32 v3, $0x3  }
0x113: {  	v3 =	vand.u32 $0x7, v3;
	v4 =	vand.u32 $0xFFFFFFC0, v63  }
0x114: {  	v3 =	vor.u32 v3, v4  }
0x115: {  	v4 =	vperm.xlane v3, v0;
	_ =	sdelay $0x1  }
0x116: {  	v4 =	vadd.s32 v1, v4;
	_ =	sdelay $0x3  }
0x117: {  	s19 =	simm.s32 $0xC100  }
0x118: {  	[tilespmem:s19], [sflag:$0x1] =	stream.indirect_vreg.gather [hbm4b:s1+s3], $0x80, v4, vm0, $0xb8;
	[tilespmem:$0x10100] =	vst v63  }
0x119: {  	v3 =	vperm.xlane v3, v2;
	s19 =	simm.s32 $0xC900  }
0x11a: {  	[tilespmem:s19], [sflag:$0x1] =	stream.indirect_vreg.gather [hbm4b:s4+s3], $0x80, v4, vm0, $0xb8;
	[tilespmem:$0x10100] =	vst v63  }
0x11b: {  	v3 =	vadd.s32 v1, v3;
	s19 =	simm.s32 $0xD100  }
0x11c: {  	[tilespmem:s19], [sflag:$0x1] =	stream.indirect_vreg.gather [hbm4b:s5+s3], $0x80, v4, vm0, $0xb8;
	[tilespmem:$0x10100] =	vst v63  }
0x11d: {  	s19 =	simm.s32 $0xD900  }
0x11e: {  	[tilespmem:s19], [sflag:$0x1] =	stream.indirect_vreg.gather [hbm4b:s6+s3], $0x80, v4, vm0, $0xb8;
	[tilespmem:$0x10100] =	vst v63  }
0x11f: {  	s19 =	simm.s32 $0xE100  }
0x120: {  	[tilespmem:s19], [sflag:$0x1] =	stream.indirect_vreg.gather [hbm4b:s1+s3], $0x80, v3, vm0, $0xb8;
	[tilespmem:$0x10100] =	vst v63  }
0x121: {  	s19 =	simm.s32 $0xE900  }
0x122: {  	[tilespmem:s19], [sflag:$0x1] =	stream.indirect_vreg.gather [hbm4b:s4+s3], $0x80, v3, vm0, $0xb8;
	[tilespmem:$0x10100] =	vst v63  }
0x123: {  	s19 =	simm.s32 $0xF100  }
0x124: {  	[tilespmem:s19], [sflag:$0x1] =	stream.indirect_vreg.gather [hbm4b:s5+s3], $0x80, v3, vm0, $0xb8;
	[tilespmem:$0x10100] =	vst v63  }
0x125: {  	s19 =	simm.s32 $0xF900  }
0x126: {  	[tilespmem:s19], [sflag:$0x1] =	stream.indirect_vreg.gather [hbm4b:s6+s3], $0x80, v3, vm0, $0xb8;
	[tilespmem:$0x10100] =	vst v63  }
0x127: {  	_ =	swait.ge [sflag:s18], $0x10000  }
0x128: {  	p0 =	sne.s32 s7, $0x1;
	[sflag:s18] =	ssyncset.done $0x0  }
.Ltmp0:
0x129: {  	s2 =	rddreg [dreg:$0x7];
	[sflag:s18] =	ssyncadd.s32 $0xFFFF0000;
	(pc) =	sbr.rel @p0 .LBB2_1-.Ltmp0, $4  }
0x12a: {  	[hbm4b:s2+s3] =	stream.linear.scatter [tilespmem:s0], [sflag:$0x2], $0x10000, $0x38;
	[tilespmem:$0x10100] =	vst v63  }
0x12b: {  	_ =	swait.ge [sflag:s8], $0x10000  }
0x12c: {  	[sflag:s8] =	ssyncset.done $0x0  }
0x12d: {  	s7 =	sadd.s32 $0xFFFFFFFF, s7;
	[sflag:s8] =	ssyncadd.s32 $0xFFFF0000  }
0x12e: {  	_ =	sfence.sel $0x180000  }
0x12f: {  	[bflag:$0x0] =	sbarrier.arrive $0xFFFF  }
0x130: {  	_ =	strace $0x90000050  }
0x131: {  	s0 =	stileid.u32;
	[bflag:$0x2] =	sbarrier.arrive $0xFFFF  }
0x132: {  	p0 =	sne.s32 s0, $0x0;
	s0 =	rddreg [dreg:$0x3]  }
0x133: {  	s0 =	sadd.s32 @!p0 $0x100000, s0  }
0x134: {  	[sflag:s0] =	ssyncadd.tile.s32 @!p0 $0x1;
	_ =	shalt  }
.Lfunc_end2:
_tile_overlayer_lowered:
.L_overlay_start_2:
0x135: {  	(tag) =	ssettag $0x2  }
0x136: {  	s0 =	rddreg [dreg:$0x0];
	s2 =	stileid.u32  }
0x137: {  	s1 =	rddreg [dreg:$0x1];
	p0 =	sne.s32 s2, $0x0  }
0x138: {  	s3 =	rddreg [dreg:$0x2];
	[bflag:$0x3] =	sbarrier.arrive $0xFFFF;
	s2 =	simm.s32 @!p0 $0x1C02  }
0x139: {  	[timem:s3], [sflag:s2] =	dma.local @!p0 [hbm:s0], s1  }
0x13a: {  	s0 =	simm.s32 @!p0 $0x2  }
0x13b: {  	_ =	swait.ge @!p0 [sflag:s0], s1  }
0x13c: {  	s1 =	ssub.s32 @!p0 $0x0, s1;
	[sflag:s0] =	ssyncset.done @!p0 $0x0  }
0x13d: {  	[sflag:s0] =	ssyncadd.s32 @!p0 s1  }
0x13e: {  	[bflag:$0x3] =	sbarrier.arrive $0xFFFF  }
0x13f: {  	_ =	shalt  }

// kernel: kernel.9.cloned.1.call-start
scs
__scs_entry_jumppad:
0x0: {  	(pc) =	sbr.rel $0x88, $3  }
0x1: {  	(tag) =	ssettag $0x0;
	lr =	simm.s32 $0x1  }
0x2: {  	[smem:$0x3F9D] =	sst lr;
	_ =	strace $0xD0000000  }
0x3: {  	_ = 	snop  }
0x4: {  	_ = 	snop  }
0x5: {  	_ = 	snop  }
0x6: {  	_ = 	snop  }
0x7: {  	_ = 	snop  }
__scs_overlays_trampoline_lowered:
0x8: {  	[smem:$0x3FAC] =	sst s0  }
0x9: {  	[smem:$0x3FAD] =	sst s1  }
0xa: {  	[smem:$0x3FAE] =	sst s2  }
0xb: {  	[smem:$0x3FAF] =	sst s3  }
0xc: {  	[smem:$0x3FB0] =	sst s4  }
0xd: {  	[smem:$0x3FB1] =	sst s5  }
0xe: {  	[smem:$0x3FB2] =	sst s6  }
0xf: {  	[smem:$0x3FB3] =	sst s7  }
0x10: {  	[smem:$0x3FB4] =	sst s8  }
0x11: {  	[smem:$0x3FB5] =	sst s9;
	s0 =	simm.s32 @!p0 $0x0  }
0x12: {  	s1 =	sld [smem:$0x3F9B];
	s0 =	simm.s32 @p0 $0x1  }
0x13: {  	[smem:$0x3FB6] =	sst s0;
	s0 =	simm.s32 @!p1 $0x0  }
0x14: {  	s2 =	sld [smem:$0x3F9A];
	s0 =	simm.s32 @p1 $0x1  }
0x15: {  	[smem:$0x3FB7] =	sst s0;
	s0 =	simm.s32 @!p2 $0x0  }
0x16: {  	s3 =	sld [smem:$0x3FDB];
	s0 =	simm.s32 @p2 $0x1  }
0x17: {  	s4 =	simm.s32 $0x1BF5;
	[smem:$0x3FB9] =	sst s0  }
0x18: {  	s0 =	sld [smem:$0x3F9C];
	_ =	swait.ge [sflag:s4], $0x0  }
0x19: {  	s7 =	sld [smem:$0x3F9D]  }
0x1a: {  	s8 =	sadd.s32 $0xFFFFE003, lr  }
0x1b: {  	s9 =	sadd.s32 $0xFFFFFEF7, lr;
	s5 =	simm.s32 $0xFFFFFFFF;
	p2 =	slt.u32 s8, $0xFFFFF086  }
0x1c: {  	p1 =	slt.u32 s9, $0xF7A;
	s5 =	simm.s32 @!p2 $0x0  }
0x1d: {  	s5 =	simm.s32 @p1 $0x1;
	p0 =	seq.s32 s7, s2  }
0x1e: {  	s7 =	smul.u32 @!p0 $0xF7A, s2;
	p2 =	seq.s32 @!p0 s5, $0x0  }
0x1f: {  	s9 =	smul.u32 $0xF7A, s1;
	s8 =	simm.s32 @!p0 $0x1BF5;
	p2 =	por !p2, p0  }
0x20: {  	[sflag:s8] =	ssyncset.s32 @!p0 $0xFFFFF086;
	s6 =	sadd.s32 @!p0 s3, s7;
	s7 =	simm.s32 @!p0 $0x108  }
0x21: {  	s3 =	sadd.s32 s3, s9;
	s6 =	sadd.s32 @!p0 $0x88, s6;
	s7 =	simm.s32 @p2 $0x1082  }
0x22: {  	[simem:s7], [sflag:s8] =	dma.local @!p0 [hbm:s6], $0xF7A  }
0x23: {  	s9 =	sor.u32 $0xD0000000, s2;
	s6 =	simm.s32 $0x108;
	_ =	swait.ge @!p0 [sflag:s8], $0x0  }
0x24: {  	s3 =	sadd.s32 $0x88, s3;
	s6 =	simm.s32 @!p1 $0x1082;
	[sflag:s4] =	ssyncset.s32 $0xFFFFF086  }
0x25: {  	[simem:s6], [sflag:s4] =	dma.local [hbm:s3], $0xF7A  }
0x26: {  	[smem:$0x3F9D] =	sst s1;
	(tag) =	ssettag s2;
	_ =	strace s9  }
0x27: {  	s1 =	sld [smem:$0x3FAD]  }
0x28: {  	s2 =	sld [smem:$0x3FAE]  }
0x29: {  	s4 =	sld [smem:$0x3FB0]  }
0x2a: {  	p0 =	seq.s32 s5, $0x0;
	s5 =	sld [smem:$0x3FB1]  }
0x2b: {  	s6 =	sld [smem:$0x3FB2]  }
0x2c: {  	s7 =	sld [smem:$0x3FB3]  }
0x2d: {  	s3 =	simm.s32 $0x108;
	s8 =	sld [smem:$0x3FB4]  }
0x2e: {  	s3 =	simm.s32 @!p0 $0x1082;
	s9 =	sld [smem:$0x3FB5]  }
0x2f: {  	lr =	sadd.s32 s0, s3;
	s0 =	sld [smem:$0x3FAC]  }
0x30: {  	s3 =	sld [smem:$0x3FAF]  }
0x31: {  	[smem:$0x3FB8] =	sst s10  }
0x32: {  	s10 =	sld [smem:$0x3FB6];
	_ =	sdelay $0x3  }
0x33: {  	p0 =	seq.s32 s10, $0x1;
	s10 =	sld [smem:$0x3FB8];
	_ =	sdelay $0x3  }
0x34: {  	[smem:$0x3FB8] =	sst s10  }
0x35: {  	s10 =	sld [smem:$0x3FB7];
	_ =	sdelay $0x3  }
0x36: {  	p1 =	seq.s32 s10, $0x1;
	s10 =	sld [smem:$0x3FB8];
	_ =	sdelay $0x3  }
0x37: {  	[smem:$0x3FB8] =	sst s10  }
0x38: {  	s10 =	sld [smem:$0x3FB9]  }
0x39: {  	_ = 	snop;
	(pc) =	sbr.ind lr, $3  }
0x3a: {  	_ = 	snop  }
0x3b: {  	_ = 	snop  }
0x3c: {  	p2 =	seq.s32 s10, $0x1;
	s10 =	sld [smem:$0x3FB8]  }
0x3d: {  	_ =	shalt  }
0x3e: {  	_ =	shalt  }
0x3f: {  	_ =	shalt  }
0x40: {  	_ =	shalt  }
0x41: {  	_ =	shalt  }
0x42: {  	_ =	shalt  }
0x43: {  	_ =	shalt  }
0x44: {  	_ =	shalt  }
0x45: {  	_ =	shalt  }
0x46: {  	_ =	shalt  }
0x47: {  	_ =	shalt  }
0x48: {  	_ =	shalt  }
0x49: {  	_ =	shalt  }
0x4a: {  	_ =	shalt  }
0x4b: {  	_ =	shalt  }
0x4c: {  	_ =	shalt  }
0x4d: {  	_ =	shalt  }
0x4e: {  	_ =	shalt  }
0x4f: {  	_ =	shalt  }
0x50: {  	_ =	shalt  }
0x51: {  	_ =	shalt  }
0x52: {  	_ =	shalt  }
0x53: {  	_ =	shalt  }
0x54: {  	_ =	shalt  }
0x55: {  	_ =	shalt  }
0x56: {  	_ =	shalt  }
0x57: {  	_ =	shalt  }
0x58: {  	_ =	shalt  }
0x59: {  	_ =	shalt  }
0x5a: {  	_ =	shalt  }
0x5b: {  	_ =	shalt  }
0x5c: {  	_ =	shalt  }
0x5d: {  	_ =	shalt  }
0x5e: {  	_ =	shalt  }
0x5f: {  	_ =	shalt  }
0x60: {  	_ =	shalt  }
0x61: {  	_ =	shalt  }
0x62: {  	_ =	shalt  }
0x63: {  	_ =	shalt  }
0x64: {  	_ =	shalt  }
0x65: {  	_ =	shalt  }
0x66: {  	_ =	shalt  }
0x67: {  	_ =	shalt  }
0x68: {  	_ =	shalt  }
0x69: {  	_ =	shalt  }
0x6a: {  	_ =	shalt  }
0x6b: {  	_ =	shalt  }
0x6c: {  	_ =	shalt  }
0x6d: {  	_ =	shalt  }
0x6e: {  	_ =	shalt  }
0x6f: {  	_ =	shalt  }
0x70: {  	_ =	shalt  }
0x71: {  	_ =	shalt  }
0x72: {  	_ =	shalt  }
0x73: {  	_ =	shalt  }
0x74: {  	_ =	shalt  }
0x75: {  	_ =	shalt  }
0x76: {  	_ =	shalt  }
0x77: {  	_ =	shalt  }
0x78: {  	_ =	shalt  }
0x79: {  	_ =	shalt  }
0x7a: {  	_ =	shalt  }
0x7b: {  	_ =	shalt  }
0x7c: {  	_ =	shalt  }
0x7d: {  	_ =	shalt  }
0x7e: {  	_ =	shalt  }
0x7f: {  	_ =	shalt  }
0x80: {  	_ =	shalt  }
0x81: {  	_ =	shalt  }
0x82: {  	_ =	shalt  }
0x83: {  	_ =	shalt  }
0x84: {  	_ =	shalt  }
0x85: {  	_ =	shalt  }
0x86: {  	_ =	shalt  }
0x87: {  	_ =	shalt  }
.Lfunc_end0:
.L_simem_size_0:
called_computation.4_lowered:
.L_overlay_start_0:
0x88: {  	s2 =	sld [smem:$0x3FD9]  }
0x89: {  	s3 =	sld [smem:$0x3FFE];
	_ =	sdelay $0x1  }
0x8a: {  	s1 =	srdreg.scid  }
0x8b: {  	s0 =	sand.u32 $0x1, s1  }
0x8c: {  	s17 =	sshll.u32 s0, $0xA;
	s2 =	sadd.s32 s3, s2  }
0x8d: {  	s2 =	sadd.s32 s2, s17  }
0x8e: {  	[smem:$0x3FC4] =	sst s2  }
0x8f: {  	_ = 	snop  }
0x90: {  	s2 =	sld [smem:$0x3FD0];
	(tm) =	ssettm $0x1  }
0x91: {  	s18 =	sld [smem:$0x3FFB];
	_ =	sdelay $0x3  }
0x92: {  	_ =	strace s18  }
0x93: {  	s3 =	sld [smem:$0x3FFC];
	_ =	sdelay $0x3  }
0x94: {  	_ =	strace s3  }
0x95: {  	s3 =	sld [smem:$0x3FFD];
	_ =	sdelay $0x3  }
0x96: {  	_ =	strace s3  }
0x97: {  	_ =	strace $0x8FFFFFFF  }
0x98: {  	s19 =	sld [smem:$0x3FDB];
	_ =	sdelay $0x1  }
0x99: {  	s4 =	simm.s32 $_scs_section_size  }
0x9a: {  	s5 =	simm.s32 $_size__tile_overlayer_lowered;
	s6 =	simm.s32 $_tile_overlayer_lowered  }
0x9b: {  	s22 =	simm.s32 $0x1BFF;
	s21 =	sshll.u32 s6, $0x1;
	s3 =	sadd.s32 s4, s19  }
0x9c: {  	s7 =	simm.s32 $0x0;
	s20 =	sshll.u32 s5, $0x1;
	s5 =	sadd.s32 s21, s3  }
0x9d: {  	[timem:s7], [sflag:s22] =	dma.local [hbm:s5], s20  }
0x9e: {  	_ =	swait.ge [sflag:s22], s20  }
0x9f: {  	s4 =	ssub.s32 $0x0, s20;
	[sflag:s22] =	ssyncset.done $0x0  }
0xa0: {  	[sflag:s22] =	ssyncadd.s32 s4;
	_ =	sdelay $0x1  }
0xa1: {  	s23 =	simm.s32 $0x1B8B  }
0xa2: {  	_ =	swait.ge [sflag:s23], $0x1  }
0xa3: {  	[sflag:s23] =	ssyncset.done $0x0  }
0xa4: {  	s25 =	simm.s32 $0x1B8E;
	s24 =	sld [smem:$0x3FFE];
	[sflag:s23] =	ssyncadd.s32 $0xFFFFFFFF  }
0xa5: {  	s26 =	simm.s32 $execute0_lowered;
	[smem:$0x3FD2] =	sst s25  }
0xa6: {  	s5 =	sshll.u32 s26, $0x1;
	_ =	strace $0x80000052;
	[dreg:$0x1] =	wrdreg $0xFFFFFFFF  }
0xa7: {  	s28 =	simm.s32 $_size_execute0_lowered;
	s3 =	sadd.s32 s3, s5;
	[dreg:$0x0] =	wrdreg $0x0  }
0xa8: {  	s5 =	sshll.u32 s28, $0x1;
	[dreg:$0x2] =	wrdreg s3  }
0xa9: {  	[dreg:$0x3] =	wrdreg s5  }
0xaa: {  	[dreg:$0x4] =	wrdreg $0xC0  }
0xab: {  	_ =	task [dreg:s7], $0x5FFFF  }
0xac: {  	[dreg:$0x1] =	wrdreg $0xFFFFFFFF  }
0xad: {  	[dreg:$0x0] =	wrdreg $0x60  }
0xae: {  	[dreg:$0x2] =	wrdreg s24  }
0xaf: {  	[dreg:$0x3] =	wrdreg s2  }
0xb0: {  	[dreg:$0x4] =	wrdreg $0x9  }
0xb1: {  	_ =	task.clear_ibuf [dreg:s7], $0x5FFFF;
	_ =	strace $0x90000052  }
0xb2: {  	s29 =	simm.s32 $0x9;
	_ =	strace $0x80000054  }
0xb3: {  	_ =	swait.ge [sflag:s29], $0x1  }
0xb4: {  	[sflag:s29] =	ssyncadd.s32 $0xFFFFFFFF  }
0xb5: {  	_ =	strace $0x90000054  }
0xb6: {  	_ =	sfence  }
0xb7: {  	s30 =	sld [smem:$0x0];
	_ =	sdelay $0x2  }
0xb8: {  	s31 =	sshll.u32 s1, $0xD;
	s1 =	sshrl.u32 s1, $0x2  }
0xb9: {  	s3 =	sand.u32 $0x4000, s31;
	s1 =	sadd.s32 s1, s30  }
0xba: {  	s0 =	sor.u32 s3, s0;
	s1 =	sshll.u32 s1, $0x11  }
0xbb: {  	s0 =	sor.u32 s1, s0  }
0xbc: {  	s0 =	sadd.s32 $0x8F2B, s0  }
0xbd: {  	[sflag:s0] =	ssyncadd.remote.s32 $0x1  }
0xbe: {  	_ =	sfence.sel $0xFFFF  }
0xbf: {  	[dreg:$0x0] =	wrdreg $0xFFFFFFFF;
	(pc) =	sbr.abs _section_cstart, $3  }
0xc0: {  	[dreg:$0x1] =	wrdreg $0xFFFFFFFF  }
0xc1: {  	_ =	task.clear_ibuf [dreg:s7], $0x2FFFF;
	_ =	strace $0x9FFFFFFF  }
0xc2: {  	(tm) =	ssettm $0x7FFFFFFF  }
0xc3: {  	_ =	shalt  }
tec
execute0_lowered:
.L_overlay_start_1:
0x0: {  	(tag) =	ssettag $0x1  }
0x1: {  	s0 =	rddreg [dreg:$0x0]  }
0x2: {  	s1 =	rddreg [dreg:$0x1]  }
0x3: {  	s2 =	srdreg.scid;
	s4 =	stileid.u32  }
0x4: {  	s12 =	simm.s32 $0x2;
	s14 =	simm.s32 $0x100;
	s31 =	simm.s32 $0x1  }
0x5: {  	s13 =	simm.s32 $0x9100;
	s15 =	simm.s32 $0xA900;
	s10 =	simm.s32 $0xB100  }
0x6: {  	s16 =	simm.s32 $0xB900;
	s11 =	simm.s32 $0xC100;
	s17 =	simm.s32 $0xC900  }
0x7: {  	s18 =	simm.s32 $0xD100;
	s19 =	simm.s32 $0xD900;
	s20 =	simm.s32 $0xE100  }
0x8: {  	s21 =	simm.s32 $0xE900;
	s22 =	simm.s32 $0xF100;
	s23 =	simm.s32 $0xF900  }
0x9: {  	s8 =	simm.s32 $0x0;
	s3 =	sand.u32 $0x1, s2;
	s2 =	simm.s32 $0x0  }
0xa: {  	s4 =	sshll.u32 s4, $0x7;
	s9 =	sadd.s32 $0xC1500, s0;
	s5 =	sshll.u32 s3, $0x6  }
0xb: {  	[smem:$0x7FF] =	sst s2;
	s26 =	ssub.s32 $0x2, s3;
	s4 =	sor.u32 s5, s4  }
0xc: {  	s7 =	sshrl.u32 s26, $0x1;
	s6 =	sshrl.u32 s4, $0x3;
	s4 =	sshll.u32 s4, $0x7  }
0xd: {  	_ =	strace $0x80000053;
	s5 =	ssub.s32 s26, s7;
	s1 =	sadd.s32 s1, s4  }
0xe: {  	s6 =	sadd.s32 s6, s0;
	s30 =	smax.u32 s5, $0x1;
	[dreg:$0x5] =	wrdreg s1  }
0xf: {  	s3 =	sadd.s32 $0xC1200, s0;
	s28 =	sadd.s32 $0x600, s6;
	[dreg:$0x7] =	wrdreg s30  }
0x10: {  	v2 =	vlaneseq.u32;
	s7 =	sadd.s32 $0xC1400, s0;
	s6 =	sadd.s32 $0x200, s6;
	[dreg:$0x3] =	wrdreg s28  }
0x11: {  	vm0 =	vmmov $0xffff;
	v1 =	vshrl.u32 v2, $0x3;
	s4 =	simm.s32 $0x9900;
	s29 =	sadd.s32 $0x1000, s1;
	[dreg:$0x4] =	wrdreg s6  }
0x12: {  	v0 =	vand.u32 $0x7, v2;
	v2 =	vor.u32 $0x8, v2;
	v1 =	vmul.u32 $0x8, v1;
	s5 =	simm.s32 $0xA100;
	s6 =	sadd.s32 $0xC1300, s0;
	[dreg:$0x6] =	wrdreg s29  }
.LBB2_1:
0x13: {  	s0 =	rddreg [dreg:$0x3]  }
0x14: {  	[tilespmem:s2], [sflag:$0x2] =	stream.linear.gather [hbm4b:s0+s2], $0x40, $0x38;
	[tilespmem:$0x10100] =	vst v63  }
0x15: {  	_ =	swait.ge [sflag:s12], $0x40  }
0x16: {  	[sflag:s12] =	ssyncset.done $0x0  }
0x17: {  	s1 =	simm.s32 $0x80;
	s26 =	rddreg [dreg:$0x4];
	[sflag:s12] =	ssyncadd.s32 $0xFFFFFFC0  }
0x18: {  	[tilespmem:s1], [sflag:$0x2] =	stream.linear.gather [hbm4b:s26+s2], $0x40, $0x38;
	[tilespmem:$0x10100] =	vst v63  }
0x19: {  	_ =	swait.ge [sflag:s12], $0x40  }
0x1a: {  	[sflag:s12] =	ssyncset.done $0x0  }
0x1b: {  	[sflag:s12] =	ssyncadd.s32 $0xFFFFFFC0  }
0x1c: {  	v3 =	vld [tilespmem:$0x0];
	_ =	sdelay $0x4  }
0x1d: {  	v4 =	vshll.u32 v3, $0x3  }
0x1e: {  	v3 =	vand.u32 $0x7, v3;
	v4 =	vand.u32 $0xFFFFFFC0, v4  }
0x1f: {  	v3 =	vor.u32 v3, v4  }
0x20: {  	v4 =	vperm.xlane v3, v0;
	_ =	sdelay $0x1  }
0x21: {  	v4 =	vadd.s32 v1, v4;
	_ =	sdelay $0x4  }
0x22: {  	[tilespmem:s14], [sflag:$0x1] =	stream.indirect_vreg.gather [hbm4b:s3+s2], $0x80, v4, vm0, $0xb8;
	[tilespmem:$0x10100] =	vst v63  }
0x23: {  	s28 =	simm.s32 $0x900;
	v3 =	vperm.xlane v3, v2  }
0x24: {  	[tilespmem:s28], [sflag:$0x1] =	stream.indirect_vreg.gather [hbm4b:s6+s2], $0x80, v4, vm0, $0xb8;
	[tilespmem:$0x10100] =	vst v63  }
0x25: {  	s29 =	simm.s32 $0x1100;
	v3 =	vadd.s32 v1, v3  }
0x26: {  	[tilespmem:s29], [sflag:$0x1] =	stream.indirect_vreg.gather [hbm4b:s7+s2], $0x80, v4, vm0, $0xb8;
	[tilespmem:$0x10100] =	vst v63  }
0x27: {  	s30 =	simm.s32 $0x1900  }
0x28: {  	[tilespmem:s30], [sflag:$0x1] =	stream.indirect_vreg.gather [hbm4b:s9+s2], $0x80, v4, vm0, $0xb8;
	[tilespmem:$0x10100] =	vst v63  }
0x29: {  	s1 =	simm.s32 $0x2100  }
0x2a: {  	[tilespmem:s1], [sflag:$0x1] =	stream.indirect_vreg.gather [hbm4b:s3+s2], $0x80, v3, vm0, $0xb8;
	[tilespmem:$0x10100] =	vst v63  }
0x2b: {  	s24 =	simm.s32 $0x2900  }
0x2c: {  	[tilespmem:s24], [sflag:$0x1] =	stream.indirect_vreg.gather [hbm4b:s6+s2], $0x80, v3, vm0, $0xb8;
	[tilespmem:$0x10100] =	vst v63  }
0x2d: {  	s25 =	simm.s32 $0x3100  }
0x2e: {  	[tilespmem:s25], [sflag:$0x1] =	stream.indirect_vreg.gather [hbm4b:s7+s2], $0x80, v3, vm0, $0xb8;
	[tilespmem:$0x10100] =	vst v63  }
0x2f: {  	s26 =	simm.s32 $0x3900  }
0x30: {  	[tilespmem:s26], [sflag:$0x1] =	stream.indirect_vreg.gather [hbm4b:s9+s2], $0x80, v3, vm0, $0xb8;
	[tilespmem:$0x10100] =	vst v63  }
0x31: {  	v3 =	vld [tilespmem:$0x10];
	_ =	sdelay $0x4  }
0x32: {  	v61 =	vshll.u32 v3, $0x3  }
0x33: {  	v3 =	vand.u32 $0x7, v3;
	v4 =	vand.u32 $0xFFFFFFC0, v61  }
0x34: {  	v3 =	vor.u32 v3, v4  }
0x35: {  	v4 =	vperm.xlane v3, v0;
	_ =	sdelay $0x1  }
0x36: {  	v4 =	vadd.s32 v1, v4;
	_ =	sdelay $0x3  }
0x37: {  	s28 =	simm.s32 $0x4100  }
0x38: {  	[tilespmem:s28], [sflag:$0x1] =	stream.indirect_vreg.gather [hbm4b:s3+s2], $0x80, v4, vm0, $0xb8;
	[tilespmem:$0x10100] =	vst v63  }
0x39: {  	s29 =	simm.s32 $0x4900;
	v3 =	vperm.xlane v3, v2  }
0x3a: {  	[tilespmem:s29], [sflag:$0x1] =	stream.indirect_vreg.gather [hbm4b:s6+s2], $0x80, v4, vm0, $0xb8;
	[tilespmem:$0x10100] =	vst v63  }
0x3b: {  	s30 =	simm.s32 $0x5100;
	v3 =	vadd.s32 v1, v3  }
0x3c: {  	[tilespmem:s30], [sflag:$0x1] =	stream.indirect_vreg.gather [hbm4b:s7+s2], $0x80, v4, vm0, $0xb8;
	[tilespmem:$0x10100] =	vst v63  }
0x3d: {  	s1 =	simm.s32 $0x5900  }
0x3e: {  	[tilespmem:s1], [sflag:$0x1] =	stream.indirect_vreg.gather [hbm4b:s9+s2], $0x80, v4, vm0, $0xb8;
	[tilespmem:$0x10100] =	vst v63  }
0x3f: {  	s24 =	simm.s32 $0x6100  }
0x40: {  	[tilespmem:s24], [sflag:$0x1] =	stream.indirect_vreg.gather [hbm4b:s3+s2], $0x80, v3, vm0, $0xb8;
	[tilespmem:$0x10100] =	vst v63  }
0x41: {  	s25 =	simm.s32 $0x6900  }
0x42: {  	[tilespmem:s25], [sflag:$0x1] =	stream.indirect_vreg.gather [hbm4b:s6+s2], $0x80, v3, vm0, $0xb8;
	[tilespmem:$0x10100] =	vst v63  }
0x43: {  	s26 =	simm.s32 $0x7100  }
0x44: {  	[tilespmem:s26], [sflag:$0x1] =	stream.indirect_vreg.gather [hbm4b:s7+s2], $0x80, v3, vm0, $0xb8;
	[tilespmem:$0x10100] =	vst v63  }
0x45: {  	s28 =	simm.s32 $0x7900  }
0x46: {  	[tilespmem:s28], [sflag:$0x1] =	stream.indirect_vreg.gather [hbm4b:s9+s2], $0x80, v3, vm0, $0xb8;
	[tilespmem:$0x10100] =	vst v63  }
0x47: {  	_ =	swait.ge [sflag:s31], $0x8000  }
0x48: {  	[sflag:s31] =	ssyncset.done $0x0  }
0x49: {  	[sflag:s31] =	ssyncadd.s32 $0xFFFF8000  }
0x4a: {  	v3 =	vld [tilespmem:$0x80];
	_ =	sdelay $0x4  }
0x4b: {  	v62 =	vshll.u32 v3, $0x3  }
0x4c: {  	v3 =	vand.u32 $0x7, v3;
	v4 =	vand.u32 $0xFFFFFFC0, v62  }
0x4d: {  	v3 =	vor.u32 v3, v4  }
0x4e: {  	v4 =	vperm.xlane v3, v0;
	_ =	sdelay $0x1  }
0x4f: {  	v4 =	vadd.s32 v1, v4;
	_ =	sdelay $0x3  }
0x50: {  	s29 =	simm.s32 $0x8100  }
0x51: {  	[tilespmem:s29], [sflag:$0x1] =	stream.indirect_vreg.gather [hbm4b:s3+s2], $0x80, v4, vm0, $0xb8;
	[tilespmem:$0x10100] =	vst v63  }
0x52: {  	s30 =	simm.s32 $0x8900;
	v3 =	vperm.xlane v3, v2  }
0x53: {  	[tilespmem:s30], [sflag:$0x1] =	stream.indirect_vreg.gather [hbm4b:s6+s2], $0x80, v4, vm0, $0xb8;
	[tilespmem:$0x10100] =	vst v63  }
0x54: {  	v3 =	vadd.s32 v1, v3  }
0x55: {  	[tilespmem:s13], [sflag:$0x1] =	stream.indirect_vreg.gather [hbm4b:s7+s2], $0x80, v4, vm0, $0xb8;
	[tilespmem:$0x10100] =	vst v63  }
0x56: {  	_ = 	snop  }
0x57: {  	[tilespmem:s4], [sflag:$0x1] =	stream.indirect_vreg.gather [hbm4b:s9+s2], $0x80, v4, vm0, $0xb8;
	[tilespmem:$0x10100] =	vst v63  }
0x58: {  	_ = 	snop  }
0x59: {  	[tilespmem:s5], [sflag:$0x1] =	stream.indirect_vreg.gather [hbm4b:s3+s2], $0x80, v3, vm0, $0xb8;
	[tilespmem:$0x10100] =	vst v63  }
0x5a: {  	_ = 	snop  }
0x5b: {  	[tilespmem:s15], [sflag:$0x1] =	stream.indirect_vreg.gather [hbm4b:s6+s2], $0x80, v3, vm0, $0xb8;
	[tilespmem:$0x10100] =	vst v63  }
0x5c: {  	_ = 	snop  }
0x5d: {  	[tilespmem:s10], [sflag:$0x1] =	stream.indirect_vreg.gather [hbm4b:s7+s2], $0x80, v3, vm0, $0xb8;
	[tilespmem:$0x10100] =	vst v63  }
0x5e: {  	_ = 	snop  }
0x5f: {  	[tilespmem:s16], [sflag:$0x1] =	stream.indirect_vreg.gather [hbm4b:s9+s2], $0x80, v3, vm0, $0xb8;
	[tilespmem:$0x10100] =	vst v63  }
0x60: {  	v3 =	vld [tilespmem:$0x90];
	_ =	sdelay $0x4  }
0x61: {  	v63 =	vshll.u32 v3, $0x3  }
0x62: {  	v3 =	vand.u32 $0x7, v3;
	v4 =	vand.u32 $0xFFFFFFC0, v63  }
0x63: {  	v3 =	vor.u32 v3, v4  }
0x64: {  	v4 =	vperm.xlane v3, v0;
	_ =	sdelay $0x1  }
0x65: {  	v4 =	vadd.s32 v1, v4;
	_ =	sdelay $0x4  }
0x66: {  	[tilespmem:s11], [sflag:$0x1] =	stream.indirect_vreg.gather [hbm4b:s3+s2], $0x80, v4, vm0, $0xb8;
	[tilespmem:$0x10100] =	vst v63  }
0x67: {  	v3 =	vperm.xlane v3, v2  }
0x68: {  	[tilespmem:s17], [sflag:$0x1] =	stream.indirect_vreg.gather [hbm4b:s6+s2], $0x80, v4, vm0, $0xb8;
	[tilespmem:$0x10100] =	vst v63  }
0x69: {  	v3 =	vadd.s32 v1, v3  }
0x6a: {  	[tilespmem:s18], [sflag:$0x1] =	stream.indirect_vreg.gather [hbm4b:s7+s2], $0x80, v4, vm0, $0xb8;
	[tilespmem:$0x10100] =	vst v63  }
0x6b: {  	_ = 	snop  }
0x6c: {  	[tilespmem:s19], [sflag:$0x1] =	stream.indirect_vreg.gather [hbm4b:s9+s2], $0x80, v4, vm0, $0xb8;
	[tilespmem:$0x10100] =	vst v63  }
0x6d: {  	_ = 	snop  }
0x6e: {  	[tilespmem:s20], [sflag:$0x1] =	stream.indirect_vreg.gather [hbm4b:s3+s2], $0x80, v3, vm0, $0xb8;
	[tilespmem:$0x10100] =	vst v63  }
0x6f: {  	_ = 	snop  }
0x70: {  	[tilespmem:s21], [sflag:$0x1] =	stream.indirect_vreg.gather [hbm4b:s6+s2], $0x80, v3, vm0, $0xb8;
	[tilespmem:$0x10100] =	vst v63  }
0x71: {  	_ = 	snop  }
0x72: {  	[tilespmem:s22], [sflag:$0x1] =	stream.indirect_vreg.gather [hbm4b:s7+s2], $0x80, v3, vm0, $0xb8;
	[tilespmem:$0x10100] =	vst v63  }
0x73: {  	_ = 	snop  }
0x74: {  	[tilespmem:s23], [sflag:$0x1] =	stream.indirect_vreg.gather [hbm4b:s9+s2], $0x80, v3, vm0, $0xb8;
	[tilespmem:$0x10100] =	vst v63  }
0x75: {  	_ =	swait.ge [sflag:s31], $0x8000  }
0x76: {  	[sflag:s31] =	ssyncset.done $0x0  }
0x77: {  	s24 =	simm.s32 $0x0;
	[sflag:s31] =	ssyncadd.s32 $0xFFFF8000  }
.LBB2_2:
0x78: {  	s0 =	sshll.u32 s24, $0xA;
	s1 =	sshll.u32 s24, $0x7  }
0x79: {  	s26 =	simm.s32 $0x0;
	s0 =	sand.u32 $0x6000, s0;
	s1 =	sand.u32 $0x380, s1  }
0x7a: {  	s25 =	sor.u32 s0, s1;
	s1 =	sand.u32 $0x1C00, s26  }
0x7b: {  	s26 =	sand.u32 $0x70, s26;
	s0 =	sor.u32 s1, s25  }
0x7c: {  	s26 =	sor.u32 s26, s0  }
0x7d: {  	v3 =	vld [tilespmem:s26+$0x8100]  }
0x7e: {  	v4 =	vld [tilespmem:s26+$0x100];
	_ =	sdelay $0x2  }
0x7f: {  	s28 =	simm.s32 $0x80  }
0x80: {  	s1 =	sand.u32 $0x1C00, s28;
	s0 =	simm.s32 $0x10  }
0x81: {  	s29 =	simm.s32 $0x20;
	s30 =	sand.u32 $0x70, s0;
	s0 =	sor.u32 s1, s25;
	v3 =	vadd.f32 v3, v4  }
.LBB2_3:
0x82: {  	p0 =	sne.s32 s29, $0x3F0;
	s0 =	sor.u32 s30, s0  }
0x83: {  	v4 =	vld [tilespmem:s0+$0x8100];
	[tilespmem:s26+$0x100] =	vst v3;
	s26 =	smov.u32 s0  }
0x84: {  	v3 =	vld [tilespmem:s26+$0x100]  }
.Ltmp0:
0x85: {  	(pc) =	sbr.rel @p0 .LBB2_3-.Ltmp0, $4  }
0x86: {  	_ = 	snop  }
0x87: {  	s28 =	sadd.s32 $0x80, s28  }
0x88: {  	s0 =	sand.u32 $0x1C00, s28  }
0x89: {  	s30 =	sand.u32 $0x70, s29;
	s29 =	sadd.s32 $0x10, s29;
	s0 =	sor.u32 s0, s25;
	v3 =	vadd.f32 v4, v3  }
0x8a: {  	s0 =	sor.u32 s30, s0  }
0x8b: {  	v4 =	vld [tilespmem:s0+$0x8100];
	[tilespmem:s26+$0x100] =	vst v3  }
0x8c: {  	v3 =	vld [tilespmem:s0+$0x100]  }
0x8d: {  	s24 =	sadd.s32 $0x1, s24  }
0x8e: {  	p0 =	sne.s32 s24, $0x20  }
.Ltmp1:
0x8f: {  	_ = 	snop;
	(pc) =	sbr.rel @p0 .LBB2_2-.Ltmp1, $3  }
0x90: {  	_ = 	snop  }
0x91: {  	v3 =	vadd.f32 v4, v3;
	_ =	sdelay $0x1  }
0x92: {  	[tilespmem:s0+$0x100] =	vst v3  }
0x93: {  	s24 =	simm.s32 $0x0;
	s0 =	rddreg [dreg:$0x5]  }
0x94: {  	[hbm4b:s0+s24] =	stream.linear.scatter [tilespmem:s14], [sflag:$0x2], $0x8000, $0x38;
	[tilespmem:$0x10100] =	vst v63  }
0x95: {  	_ =	swait.ge [sflag:s12], $0x8000  }
0x96: {  	[sflag:s12] =	ssyncset.done $0x0  }
0x97: {  	[sflag:s12] =	ssyncadd.s32 $0xFFFF8000  }
0x98: {  	v3 =	vld [tilespmem:$0x20];
	_ =	sdelay $0x4  }
0x99: {  	v4 =	vshll.u32 v3, $0x3  }
0x9a: {  	v3 =	vand.u32 $0x7, v3;
	v4 =	vand.u32 $0xFFFFFFC0, v4  }
0x9b: {  	v3 =	vor.u32 v3, v4  }
0x9c: {  	v4 =	vperm.xlane v3, v0;
	_ =	sdelay $0x1  }
0x9d: {  	v4 =	vadd.s32 v1, v4;
	_ =	sdelay $0x4  }
0x9e: {  	[tilespmem:s14], [sflag:$0x1] =	stream.indirect_vreg.gather [hbm4b:s3+s24], $0x80, v4, vm0, $0xb8;
	[tilespmem:$0x10100] =	vst v63  }
0x9f: {  	s25 =	simm.s32 $0x900;
	v3 =	vperm.xlane v3, v2  }
0xa0: {  	[tilespmem:s25], [sflag:$0x1] =	stream.indirect_vreg.gather [hbm4b:s6+s24], $0x80, v4, vm0, $0xb8;
	[tilespmem:$0x10100] =	vst v63  }
0xa1: {  	s26 =	simm.s32 $0x1100;
	v3 =	vadd.s32 v1, v3  }
0xa2: {  	[tilespmem:s26], [sflag:$0x1] =	stream.indirect_vreg.gather [hbm4b:s7+s24], $0x80, v4, vm0, $0xb8;
	[tilespmem:$0x10100] =	vst v63  }
0xa3: {  	s28 =	simm.s32 $0x1900  }
0xa4: {  	[tilespmem:s28], [sflag:$0x1] =	stream.indirect_vreg.gather [hbm4b:s9+s24], $0x80, v4, vm0, $0xb8;
	[tilespmem:$0x10100] =	vst v63  }
0xa5: {  	s29 =	simm.s32 $0x2100  }
0xa6: {  	[tilespmem:s29], [sflag:$0x1] =	stream.indirect_vreg.gather [hbm4b:s3+s24], $0x80, v3, vm0, $0xb8;
	[tilespmem:$0x10100] =	vst v63  }
0xa7: {  	s30 =	simm.s32 $0x2900  }
0xa8: {  	[tilespmem:s30], [sflag:$0x1] =	stream.indirect_vreg.gather [hbm4b:s6+s24], $0x80, v3, vm0, $0xb8;
	[tilespmem:$0x10100] =	vst v63  }
0xa9: {  	s1 =	simm.s32 $0x3100  }
0xaa: {  	[tilespmem:s1], [sflag:$0x1] =	stream.indirect_vreg.gather [hbm4b:s7+s24], $0x80, v3, vm0, $0xb8;
	[tilespmem:$0x10100] =	vst v63  }
0xab: {  	s25 =	simm.s32 $0x3900  }
0xac: {  	[tilespmem:s25], [sflag:$0x1] =	stream.indirect_vreg.gather [hbm4b:s9+s24], $0x80, v3, vm0, $0xb8;
	[tilespmem:$0x10100] =	vst v63  }
0xad: {  	v3 =	vld [tilespmem:$0x30];
	_ =	sdelay $0x4  }
0xae: {  	v61 =	vshll.u32 v3, $0x3  }
0xaf: {  	v3 =	vand.u32 $0x7, v3;
	v4 =	vand.u32 $0xFFFFFFC0, v61  }
0xb0: {  	v3 =	vor.u32 v3, v4  }
0xb1: {  	v4 =	vperm.xlane v3, v0;
	_ =	sdelay $0x1  }
0xb2: {  	v4 =	vadd.s32 v1, v4;
	_ =	sdelay $0x3  }
0xb3: {  	s26 =	simm.s32 $0x4100  }
0xb4: {  	[tilespmem:s26], [sflag:$0x1] =	stream.indirect_vreg.gather [hbm4b:s3+s24], $0x80, v4, vm0, $0xb8;
	[tilespmem:$0x10100] =	vst v63  }
0xb5: {  	s28 =	simm.s32 $0x4900;
	v3 =	vperm.xlane v3, v2  }
0xb6: {  	[tilespmem:s28], [sflag:$0x1] =	stream.indirect_vreg.gather [hbm4b:s6+s24], $0x80, v4, vm0, $0xb8;
	[tilespmem:$0x10100] =	vst v63  }
0xb7: {  	s29 =	simm.s32 $0x5100;
	v3 =	vadd.s32 v1, v3  }
0xb8: {  	[tilespmem:s29], [sflag:$0x1] =	stream.indirect_vreg.gather [hbm4b:s7+s24], $0x80, v4, vm0, $0xb8;
	[tilespmem:$0x10100] =	vst v63  }
0xb9: {  	s30 =	simm.s32 $0x5900  }
0xba: {  	[tilespmem:s30], [sflag:$0x1] =	stream.indirect_vreg.gather [hbm4b:s9+s24], $0x80, v4, vm0, $0xb8;
	[tilespmem:$0x10100] =	vst v63  }
0xbb: {  	s1 =	simm.s32 $0x6100  }
0xbc: {  	[tilespmem:s1], [sflag:$0x1] =	stream.indirect_vreg.gather [hbm4b:s3+s24], $0x80, v3, vm0, $0xb8;
	[tilespmem:$0x10100] =	vst v63  }
0xbd: {  	s25 =	simm.s32 $0x6900  }
0xbe: {  	[tilespmem:s25], [sflag:$0x1] =	stream.indirect_vreg.gather [hbm4b:s6+s24], $0x80, v3, vm0, $0xb8;
	[tilespmem:$0x10100] =	vst v63  }
0xbf: {  	s26 =	simm.s32 $0x7100  }
0xc0: {  	[tilespmem:s26], [sflag:$0x1] =	stream.indirect_vreg.gather [hbm4b:s7+s24], $0x80, v3, vm0, $0xb8;
	[tilespmem:$0x10100] =	vst v63  }
0xc1: {  	s28 =	simm.s32 $0x7900  }
0xc2: {  	[tilespmem:s28], [sflag:$0x1] =	stream.indirect_vreg.gather [hbm4b:s9+s24], $0x80, v3, vm0, $0xb8;
	[tilespmem:$0x10100] =	vst v63  }
0xc3: {  	_ =	swait.ge [sflag:s31], $0x8000  }
0xc4: {  	[sflag:s31] =	ssyncset.done $0x0  }
0xc5: {  	[sflag:s31] =	ssyncadd.s32 $0xFFFF8000  }
0xc6: {  	v3 =	vld [tilespmem:$0xA0];
	_ =	sdelay $0x4  }
0xc7: {  	v62 =	vshll.u32 v3, $0x3  }
0xc8: {  	v3 =	vand.u32 $0x7, v3;
	v4 =	vand.u32 $0xFFFFFFC0, v62  }
0xc9: {  	v3 =	vor.u32 v3, v4  }
0xca: {  	v4 =	vperm.xlane v3, v0;
	_ =	sdelay $0x1  }
0xcb: {  	v4 =	vadd.s32 v1, v4;
	_ =	sdelay $0x3  }
0xcc: {  	s29 =	simm.s32 $0x8100  }
0xcd: {  	[tilespmem:s29], [sflag:$0x1] =	stream.indirect_vreg.gather [hbm4b:s3+s24], $0x80, v4, vm0, $0xb8;
	[tilespmem:$0x10100] =	vst v63  }
0xce: {  	s30 =	simm.s32 $0x8900;
	v3 =	vperm.xlane v3, v2  }
0xcf: {  	[tilespmem:s30], [sflag:$0x1] =	stream.indirect_vreg.gather [hbm4b:s6+s24], $0x80, v4, vm0, $0xb8;
	[tilespmem:$0x10100] =	vst v63  }
0xd0: {  	v3 =	vadd.s32 v1, v3  }
0xd1: {  	[tilespmem:s13], [sflag:$0x1] =	stream.indirect_vreg.gather [hbm4b:s7+s24], $0x80, v4, vm0, $0xb8;
	[tilespmem:$0x10100] =	vst v63  }
0xd2: {  	_ = 	snop  }
0xd3: {  	[tilespmem:s4], [sflag:$0x1] =	stream.indirect_vreg.gather [hbm4b:s9+s24], $0x80, v4, vm0, $0xb8;
	[tilespmem:$0x10100] =	vst v63  }
0xd4: {  	_ = 	snop  }
0xd5: {  	[tilespmem:s5], [sflag:$0x1] =	stream.indirect_vreg.gather [hbm4b:s3+s24], $0x80, v3, vm0, $0xb8;
	[tilespmem:$0x10100] =	vst v63  }
0xd6: {  	_ = 	snop  }
0xd7: {  	[tilespmem:s15], [sflag:$0x1] =	stream.indirect_vreg.gather [hbm4b:s6+s24], $0x80, v3, vm0, $0xb8;
	[tilespmem:$0x10100] =	vst v63  }
0xd8: {  	_ = 	snop  }
0xd9: {  	[tilespmem:s10], [sflag:$0x1] =	stream.indirect_vreg.gather [hbm4b:s7+s24], $0x80, v3, vm0, $0xb8;
	[tilespmem:$0x10100] =	vst v63  }
0xda: {  	_ = 	snop  }
0xdb: {  	[tilespmem:s16], [sflag:$0x1] =	stream.indirect_vreg.gather [hbm4b:s9+s24], $0x80, v3, vm0, $0xb8;
	[tilespmem:$0x10100] =	vst v63  }
0xdc: {  	v3 =	vld [tilespmem:$0xB0];
	_ =	sdelay $0x4  }
0xdd: {  	v63 =	vshll.u32 v3, $0x3  }
0xde: {  	v3 =	vand.u32 $0x7, v3;
	v4 =	vand.u32 $0xFFFFFFC0, v63  }
0xdf: {  	v3 =	vor.u32 v3, v4  }
0xe0: {  	v4 =	vperm.xlane v3, v0;
	_ =	sdelay $0x1  }
0xe1: {  	v4 =	vadd.s32 v1, v4;
	_ =	sdelay $0x4  }
0xe2: {  	[tilespmem:s11], [sflag:$0x1] =	stream.indirect_vreg.gather [hbm4b:s3+s24], $0x80, v4, vm0, $0xb8;
	[tilespmem:$0x10100] =	vst v63  }
0xe3: {  	v3 =	vperm.xlane v3, v2  }
0xe4: {  	[tilespmem:s17], [sflag:$0x1] =	stream.indirect_vreg.gather [hbm4b:s6+s24], $0x80, v4, vm0, $0xb8;
	[tilespmem:$0x10100] =	vst v63  }
0xe5: {  	v3 =	vadd.s32 v1, v3  }
0xe6: {  	[tilespmem:s18], [sflag:$0x1] =	stream.indirect_vreg.gather [hbm4b:s7+s24], $0x80, v4, vm0, $0xb8;
	[tilespmem:$0x10100] =	vst v63  }
0xe7: {  	_ = 	snop  }
0xe8: {  	[tilespmem:s19], [sflag:$0x1] =	stream.indirect_vreg.gather [hbm4b:s9+s24], $0x80, v4, vm0, $0xb8;
	[tilespmem:$0x10100] =	vst v63  }
0xe9: {  	_ = 	snop  }
0xea: {  	[tilespmem:s20], [sflag:$0x1] =	stream.indirect_vreg.gather [hbm4b:s3+s24], $0x80, v3, vm0, $0xb8;
	[tilespmem:$0x10100] =	vst v63  }
0xeb: {  	_ = 	snop  }
0xec: {  	[tilespmem:s21], [sflag:$0x1] =	stream.indirect_vreg.gather [hbm4b:s6+s24], $0x80, v3, vm0, $0xb8;
	[tilespmem:$0x10100] =	vst v63  }
0xed: {  	_ = 	snop  }
0xee: {  	[tilespmem:s22], [sflag:$0x1] =	stream.indirect_vreg.gather [hbm4b:s7+s24], $0x80, v3, vm0, $0xb8;
	[tilespmem:$0x10100] =	vst v63  }
0xef: {  	_ = 	snop  }
0xf0: {  	[tilespmem:s23], [sflag:$0x1] =	stream.indirect_vreg.gather [hbm4b:s9+s24], $0x80, v3, vm0, $0xb8;
	[tilespmem:$0x10100] =	vst v63  }
0xf1: {  	_ =	swait.ge [sflag:s31], $0x8000  }
0xf2: {  	[sflag:s31] =	ssyncset.done $0x0  }
0xf3: {  	s25 =	simm.s32 $0x0;
	[sflag:s31] =	ssyncadd.s32 $0xFFFF8000  }
.LBB2_6:
0xf4: {  	s0 =	sshll.u32 s25, $0xA;
	s1 =	sshll.u32 s25, $0x7  }
0xf5: {  	s0 =	sand.u32 $0x6000, s0;
	s1 =	sand.u32 $0x380, s1  }
0xf6: {  	s26 =	sor.u32 s0, s1;
	s0 =	sand.u32 $0x1C00, s24  }
0xf7: {  	s1 =	sand.u32 $0x70, s24;
	s0 =	sor.u32 s0, s26  }
0xf8: {  	s28 =	sor.u32 s1, s0  }
0xf9: {  	v3 =	vld [tilespmem:s28+$0x8100]  }
0xfa: {  	v4 =	vld [tilespmem:s28+$0x100];
	_ =	sdelay $0x2  }
0xfb: {  	s29 =	simm.s32 $0x80  }
0xfc: {  	s0 =	simm.s32 $0x10;
	s1 =	sand.u32 $0x1C00, s29  }
0xfd: {  	s30 =	simm.s32 $0x20;
	s0 =	sand.u32 $0x70, s0;
	s1 =	sor.u32 s1, s26;
	v3 =	vadd.f32 v3, v4  }
.LBB2_7:
0xfe: {  	p0 =	sne.s32 s30, $0x3F0;
	s0 =	sor.u32 s0, s1  }
0xff: {  	v4 =	vld [tilespmem:s0+$0x8100];
	[tilespmem:s28+$0x100] =	vst v3;
	s28 =	smov.u32 s0  }
0x100: {  	v3 =	vld [tilespmem:s28+$0x100]  }
.Ltmp2:
0x101: {  	(pc) =	sbr.rel @p0 .LBB2_7-.Ltmp2, $4  }
0x102: {  	_ = 	snop  }
0x103: {  	s29 =	sadd.s32 $0x80, s29  }
0x104: {  	s1 =	sand.u32 $0x1C00, s29  }
0x105: {  	s0 =	sand.u32 $0x70, s30;
	s30 =	sadd.s32 $0x10, s30;
	s1 =	sor.u32 s1, s26;
	v3 =	vadd.f32 v4, v3  }
0x106: {  	s0 =	sor.u32 s0, s1  }
0x107: {  	v4 =	vld [tilespmem:s0+$0x8100];
	[tilespmem:s28+$0x100] =	vst v3  }
0x108: {  	v3 =	vld [tilespmem:s0+$0x100]  }
0x109: {  	s25 =	sadd.s32 $0x1, s25  }
0x10a: {  	p0 =	sne.s32 s25, $0x20  }
.Ltmp3:
0x10b: {  	_ = 	snop;
	(pc) =	sbr.rel @p0 .LBB2_6-.Ltmp3, $3  }
0x10c: {  	_ = 	snop  }
0x10d: {  	v3 =	vadd.f32 v4, v3;
	_ =	sdelay $0x1  }
0x10e: {  	[tilespmem:s0+$0x100] =	vst v3  }
0x10f: {  	s0 =	rddreg [dreg:$0x6]  }
0x110: {  	[hbm4b:s0+s2] =	stream.linear.scatter [tilespmem:s14], [sflag:$0x2], $0x8000, $0x38;
	[tilespmem:$0x10100] =	vst v63  }
0x111: {  	_ =	swait.ge [sflag:s12], $0x8000  }
0x112: {  	s8 =	sadd.s32 $0x1, s8;
	s30 =	rddreg [dreg:$0x7]  }
0x113: {  	p0 =	sne.s32 s8, s30  }
.Ltmp4:
0x114: {  	_ = 	snop;
	(pc) =	sbr.rel @p0 .LBB2_1-.Ltmp4, $3  }
0x115: {  	_ =	sdelay $0x1  }
0x116: {  	[sflag:s12] =	ssyncset.done $0x0  }
0x117: {  	[sflag:s12] =	ssyncadd.s32 $0xFFFF8000  }
0x118: {  	_ =	sfence.sel $0x180000  }
0x119: {  	[bflag:$0x0] =	sbarrier.arrive $0xFFFF  }
0x11a: {  	_ =	strace $0x90000053  }
0x11b: {  	s0 =	stileid.u32;
	[bflag:$0x2] =	sbarrier.arrive $0xFFFF  }
0x11c: {  	p0 =	sne.s32 s0, $0x0;
	s0 =	rddreg [dreg:$0x2]  }
0x11d: {  	s0 =	sadd.s32 @!p0 $0x100000, s0  }
0x11e: {  	[sflag:s0] =	ssyncadd.tile.s32 @!p0 $0x1;
	_ =	shalt  }
.Lfunc_end2:
_tile_overlayer_lowered:
.L_overlay_start_2:
0x11f: {  	(tag) =	ssettag $0x2  }
0x120: {  	s0 =	rddreg [dreg:$0x0];
	s2 =	stileid.u32  }
0x121: {  	s1 =	rddreg [dreg:$0x1];
	p0 =	sne.s32 s2, $0x0  }
0x122: {  	s3 =	rddreg [dreg:$0x2];
	[bflag:$0x3] =	sbarrier.arrive $0xFFFF;
	s2 =	simm.s32 @!p0 $0x1C02  }
0x123: {  	[timem:s3], [sflag:s2] =	dma.local @!p0 [hbm:s0], s1  }
0x124: {  	s0 =	simm.s32 @!p0 $0x2  }
0x125: {  	_ =	swait.ge @!p0 [sflag:s0], s1  }
0x126: {  	s1 =	ssub.s32 @!p0 $0x0, s1;
	[sflag:s0] =	ssyncset.done @!p0 $0x0  }
0x127: {  	[sflag:s0] =	ssyncadd.s32 @!p0 s1  }
0x128: {  	[bflag:$0x3] =	sbarrier.arrive $0xFFFF  }
0x129: {  	_ =	shalt  }

</sc_bundles>
